<compile_context>
chip_gen: v7x
topology: tpu7x:2x2x1
jax: 0.10.2.dev20260603
libtpu: 0.0.44.dev20260713+nightly
codegen_flags: <defaults>
</compile_context>

<pallas_src>
import functools
import jax
import jax.numpy as jnp
from jax import lax
from jax.experimental import pallas as pl
from jax.experimental.pallas import tpu as pltpu
from jax.experimental.pallas import tpu_sc as plsc

_N_E = 1024
_E_DIM = 256
_P = 1024


def _tc_idx_body(z_ref, cb_ref, idx_ref):
    z_b = z_ref[0]
    cb = cb_ref[...]
    znorm = jnp.sum(z_b * z_b, axis=0, keepdims=True)
    enorm = jnp.sum(cb * cb, axis=1, keepdims=True)
    mm = jax.lax.dot_general(
        cb, z_b, (((1,), (0,)), ((), ())),
        preferred_element_type=jnp.float32)
    d = (znorm + enorm) - 2.0 * mm
    iota_k = jax.lax.broadcasted_iota(jnp.int32, (_N_E, _P), 0)
    dmin = jnp.min(d, axis=0, keepdims=True)
    idx_ref[0] = jnp.min(jnp.where(d == dmin, iota_k, _N_E), axis=0,
                         keepdims=True)


def _tc_transpose_body(r_ref, out_ref):
    out_ref[0] = r_ref[0].T


_NUM_SC = 2
_NUM_SUBCORES = 16


def _make_sc_gather(n_rows, d):
    nw = _NUM_SC * _NUM_SUBCORES
    ch = 128
    n_ch = n_rows // (nw * ch)
    mesh = plsc.VectorSubcoreMesh(core_axis_name="c", subcore_axis_name="s",
                                  num_cores=_NUM_SC,
                                  num_subcores=_NUM_SUBCORES)

    @functools.partial(
        pl.kernel, mesh=mesh,
        out_type=jax.ShapeDtypeStruct((n_rows, d), jnp.float32),
        scratch_types=[
            [pltpu.VMEM((ch,), jnp.int32) for _ in range(n_ch)],
            pltpu.VMEM((ch, d), jnp.float32),
            pltpu.VMEM((ch, d), jnp.float32),
            pltpu.SemaphoreType.DMA,
            pltpu.SemaphoreType.DMA,
        ],
    )
    def k(cb_hbm, idx_hbm, out_hbm, idx_vs, rows0, rows1, sem0, sem1):
        wid = lax.axis_index("s") * _NUM_SC + lax.axis_index("c")
        base = wid * n_ch
        for j in range(n_ch):
            pltpu.sync_copy(idx_hbm.at[base + j], idx_vs[j])
        rows = (rows0, rows1)
        sems = (sem0, sem1)
        cps = [pltpu.async_copy(cb_hbm.at[idx_vs[j]], rows[j], sems[j])
               for j in range(2)]
        for j in range(n_ch):
            cps[j].wait()
            pltpu.sync_copy(rows[j % 2],
                            out_hbm.at[pl.ds((base + j) * ch, ch)])
            if j + 2 < n_ch:
                cps.append(pltpu.async_copy(cb_hbm.at[idx_vs[j + 2]],
                                            rows[j % 2], sems[j % 2]))

    return k


def kernel(z, codebook):
    B, C, H, W = z.shape
    P = H * W
    z3 = z.reshape(B, C, P)
    idx = pl.pallas_call(
        _tc_idx_body,
        grid=(B,),
        in_specs=[
            pl.BlockSpec((1, C, P), lambda b: (b, 0, 0)),
            pl.BlockSpec((_N_E, _E_DIM), lambda b: (0, 0)),
        ],
        out_specs=pl.BlockSpec((1, 1, P), lambda b: (b, 0, 0)),
        out_shape=jax.ShapeDtypeStruct((B, 1, P), jnp.int32),
        compiler_params=pltpu.CompilerParams(
            dimension_semantics=("arbitrary",),
        ),
    )(z3, codebook)
    idx2 = idx.reshape(B * P // 128, 128)
    rows = _make_sc_gather(B * P, C)(codebook, idx2)
    out = pl.pallas_call(
        _tc_transpose_body,
        grid=(B,),
        in_specs=[pl.BlockSpec((1, P, C), lambda b: (b, 0, 0))],
        out_specs=pl.BlockSpec((1, C, P), lambda b: (b, 0, 0)),
        out_shape=jax.ShapeDtypeStruct((B, C, P), jnp.float32),
        compiler_params=pltpu.CompilerParams(
            dimension_semantics=("arbitrary",),
        ),
    )(rows.reshape(B, P, C))
    return out.reshape(B, C, H, W)

# --- scband reference (transcript-rebuilt; emitter-appended) ---
"""Pipeline reference for scband-vector-quantizer-31980326486406 (READ-ONLY COPY).

The authoritative reference and input builder live on the scoring server;
editing this copy changes nothing except your own understanding.
"""

import jax, jax.numpy as jnp
import numpy as np

N_E = 1024
E_DIM = 256

def setup_inputs(seed: int = 0) -> dict:
    key = jax.random.key(seed)
    k1, k2 = jax.random.split(key)
    z = jax.random.normal(k1, (16, 256, 32, 32), dtype=jnp.float32)
    codebook = jax.random.uniform(k2, (N_E, E_DIM), dtype=jnp.float32, minval=-1.0 / N_E, maxval=1.0 / N_E)
    return {"z": z, "codebook": codebook}

def reference(z, codebook):
    # z: (B, C, H, W) -> (B, H, W, C)
    zp = jnp.transpose(z, (0, 2, 3, 1))
    z_flat = zp.reshape(-1, E_DIM)
    # squared euclidean distances: ||x||^2 + ||e||^2 - 2 x e^T
    d = (jnp.sum(z_flat ** 2, axis=1, keepdims=True)
         + jnp.sum(codebook ** 2, axis=1)
         - 2.0 * jnp.matmul(z_flat, codebook.T))
    min_encoding_indices = jnp.argmin(d, axis=1)
    # one-hot scatter + matmul, matching the torch implementation
    min_encodings = jax.nn.one_hot(min_encoding_indices, N_E, dtype=z.dtype)
    z_q = jnp.matmul(min_encodings, codebook)
    z_q = z_q.reshape(zp.shape)
    # straight-through estimator
    z_q = zp + jax.lax.stop_gradient(z_q - zp)
    z_q = jnp.transpose(z_q, (0, 3, 1, 2))
    return z_q

if __name__ == "__main__":
    import jax
    _d = setup_inputs()
    print(jax.jit(kernel)(*tuple(_d.values())))

</pallas_src>

<mosaic_0001>
#map = affine_map<(d0, d1) -> (0, 0)>
module attributes {stable_mosaic.version = 14 : i64} {
  func.func @k(%arg0: i32, %arg1: i32, %arg2: memref<1024x256xf32, #tpu.memory_space<hbm>>, %arg3: memref<128x128xi32, #tpu.memory_space<hbm>>, %arg4: memref<16384x256xf32, #tpu.memory_space<hbm>>, %arg5: memref<128xi32, #tpu.memory_space<vmem>>, %arg6: memref<128xi32, #tpu.memory_space<vmem>>, %arg7: memref<128xi32, #tpu.memory_space<vmem>>, %arg8: memref<128xi32, #tpu.memory_space<vmem>>, %arg9: memref<128x256xf32, #tpu.memory_space<vmem>>, %arg10: memref<128x256xf32, #tpu.memory_space<vmem>>, %arg11: memref<!tpu.dma_semaphore, #tpu.memory_space<semaphore_mem>>, %arg12: memref<!tpu.dma_semaphore, #tpu.memory_space<semaphore_mem>>) attributes {dimension_semantics = [#tpu.dimension_semantics<core_parallel>, #tpu.dimension_semantics<subcore_parallel>], iteration_bounds = array<i64: 2, 16>, scalar_prefetch = 0 : i64, scratch_operands = 8 : i64, tpu.core_type = #tpu.core_type<sc_vector_subcore>, window_params = [{transform_indices = #map}, {transform_indices = #map}, {transform_indices = #map}]} {
    %mul3A = arith.constant 2 : i32
    %mul3A_0 = arith.muli %arg1, %mul3A : i32
    %add3A = arith.addi %mul3A_0, %arg0 : i32
    %mul3A_1 = arith.constant 4 : i32
    %mul3A_2 = arith.muli %add3A, %mul3A_1 : i32
    %add3A_3 = arith.constant 0 : i32
    %add3A_4 = arith.addi %mul3A_2, %add3A_3 : i32
    "tpu.region"() ({
      %run_scoped3A = tpu.sem_alloc : memref<!tpu.dma_semaphore, #tpu.memory_space<semaphore_mem>>
      %dma_start3A_49 = arith.constant 0 : i32
      %dma_start3A_50 = tpu.memref_slice %arg3[%add3A_4, %dma_start3A_49] : memref<128x128xi32, #tpu.memory_space<hbm>> -> memref<1x128xi32, #tpu.memory_space<hbm>>
      %dma_start3A_51 = tpu.memref_squeeze %dma_start3A_50 : memref<1x128xi32, #tpu.memory_space<hbm>> -> memref<128xi32, #tpu.memory_space<hbm>>
      %dma_start3A_52 = arith.constant 0 : i32
      %dma_start3A_53 = tpu.memref_slice %arg3[%add3A_4, %dma_start3A_52] : memref<128x128xi32, #tpu.memory_space<hbm>> -> memref<1x128xi32, #tpu.memory_space<hbm>>
      %dma_start3A_54 = tpu.memref_squeeze %dma_start3A_53 : memref<1x128xi32, #tpu.memory_space<hbm>> -> memref<128xi32, #tpu.memory_space<hbm>>
      tpu.enqueue_dma source(%dma_start3A_54 : memref<128xi32, #tpu.memory_space<hbm>>) target(%arg5 : memref<128xi32, #tpu.memory_space<vmem>>) target_semaphore(%run_scoped3A : memref<!tpu.dma_semaphore, #tpu.memory_space<semaphore_mem>>)
      %dma_wait3A_55 = arith.constant 0 : i32
      %dma_wait3A_56 = tpu.memref_slice %arg3[%add3A_4, %dma_wait3A_55] : memref<128x128xi32, #tpu.memory_space<hbm>> -> memref<1x128xi32, #tpu.memory_space<hbm>>
      %dma_wait3A_57 = tpu.memref_squeeze %dma_wait3A_56 : memref<1x128xi32, #tpu.memory_space<hbm>> -> memref<128xi32, #tpu.memory_space<hbm>>
      %dma_wait3A_58 = arith.constant 0 : i32
      %dma_wait3A_59 = tpu.memref_slice %arg3[%add3A_4, %dma_wait3A_58] : memref<128x128xi32, #tpu.memory_space<hbm>> -> memref<1x128xi32, #tpu.memory_space<hbm>>
      %dma_wait3A_60 = tpu.memref_squeeze %dma_wait3A_59 : memref<1x128xi32, #tpu.memory_space<hbm>> -> memref<128xi32, #tpu.memory_space<hbm>>
      tpu.wait_dma2 semaphore(%run_scoped3A : memref<!tpu.dma_semaphore, #tpu.memory_space<semaphore_mem>>) src(%dma_wait3A_60 : memref<128xi32, #tpu.memory_space<hbm>>) dst(%arg5 : memref<128xi32, #tpu.memory_space<vmem>>)
      tpu.yield
    }) : () -> ()
    %add3A_5 = arith.constant 1 : i32
    %add3A_6 = arith.addi %mul3A_2, %add3A_5 : i32
    "tpu.region"() ({
      %run_scoped3A = tpu.sem_alloc : memref<!tpu.dma_semaphore, #tpu.memory_space<semaphore_mem>>
      %dma_start3A_49 = arith.constant 0 : i32
      %dma_start3A_50 = tpu.memref_slice %arg3[%add3A_6, %dma_start3A_49] : memref<128x128xi32, #tpu.memory_space<hbm>> -> memref<1x128xi32, #tpu.memory_space<hbm>>
      %dma_start3A_51 = tpu.memref_squeeze %dma_start3A_50 : memref<1x128xi32, #tpu.memory_space<hbm>> -> memref<128xi32, #tpu.memory_space<hbm>>
      %dma_start3A_52 = arith.constant 0 : i32
      %dma_start3A_53 = tpu.memref_slice %arg3[%add3A_6, %dma_start3A_52] : memref<128x128xi32, #tpu.memory_space<hbm>> -> memref<1x128xi32, #tpu.memory_space<hbm>>
      %dma_start3A_54 = tpu.memref_squeeze %dma_start3A_53 : memref<1x128xi32, #tpu.memory_space<hbm>> -> memref<128xi32, #tpu.memory_space<hbm>>
      tpu.enqueue_dma source(%dma_start3A_54 : memref<128xi32, #tpu.memory_space<hbm>>) target(%arg6 : memref<128xi32, #tpu.memory_space<vmem>>) target_semaphore(%run_scoped3A : memref<!tpu.dma_semaphore, #tpu.memory_space<semaphore_mem>>)
      %dma_wait3A_55 = arith.constant 0 : i32
      %dma_wait3A_56 = tpu.memref_slice %arg3[%add3A_6, %dma_wait3A_55] : memref<128x128xi32, #tpu.memory_space<hbm>> -> memref<1x128xi32, #tpu.memory_space<hbm>>
      %dma_wait3A_57 = tpu.memref_squeeze %dma_wait3A_56 : memref<1x128xi32, #tpu.memory_space<hbm>> -> memref<128xi32, #tpu.memory_space<hbm>>
      %dma_wait3A_58 = arith.constant 0 : i32
      %dma_wait3A_59 = tpu.memref_slice %arg3[%add3A_6, %dma_wait3A_58] : memref<128x128xi32, #tpu.memory_space<hbm>> -> memref<1x128xi32, #tpu.memory_space<hbm>>
      %dma_wait3A_60 = tpu.memref_squeeze %dma_wait3A_59 : memref<1x128xi32, #tpu.memory_space<hbm>> -> memref<128xi32, #tpu.memory_space<hbm>>
      tpu.wait_dma2 semaphore(%run_scoped3A : memref<!tpu.dma_semaphore, #tpu.memory_space<semaphore_mem>>) src(%dma_wait3A_60 : memref<128xi32, #tpu.memory_space<hbm>>) dst(%arg6 : memref<128xi32, #tpu.memory_space<vmem>>)
      tpu.yield
    }) : () -> ()
    %add3A_7 = arith.constant 2 : i32
    %add3A_8 = arith.addi %mul3A_2, %add3A_7 : i32
    "tpu.region"() ({
      %run_scoped3A = tpu.sem_alloc : memref<!tpu.dma_semaphore, #tpu.memory_space<semaphore_mem>>
      %dma_start3A_49 = arith.constant 0 : i32
      %dma_start3A_50 = tpu.memref_slice %arg3[%add3A_8, %dma_start3A_49] : memref<128x128xi32, #tpu.memory_space<hbm>> -> memref<1x128xi32, #tpu.memory_space<hbm>>
      %dma_start3A_51 = tpu.memref_squeeze %dma_start3A_50 : memref<1x128xi32, #tpu.memory_space<hbm>> -> memref<128xi32, #tpu.memory_space<hbm>>
      %dma_start3A_52 = arith.constant 0 : i32
      %dma_start3A_53 = tpu.memref_slice %arg3[%add3A_8, %dma_start3A_52] : memref<128x128xi32, #tpu.memory_space<hbm>> -> memref<1x128xi32, #tpu.memory_space<hbm>>
      %dma_start3A_54 = tpu.memref_squeeze %dma_start3A_53 : memref<1x128xi32, #tpu.memory_space<hbm>> -> memref<128xi32, #tpu.memory_space<hbm>>
      tpu.enqueue_dma source(%dma_start3A_54 : memref<128xi32, #tpu.memory_space<hbm>>) target(%arg7 : memref<128xi32, #tpu.memory_space<vmem>>) target_semaphore(%run_scoped3A : memref<!tpu.dma_semaphore, #tpu.memory_space<semaphore_mem>>)
      %dma_wait3A_55 = arith.constant 0 : i32
      %dma_wait3A_56 = tpu.memref_slice %arg3[%add3A_8, %dma_wait3A_55] : memref<128x128xi32, #tpu.memory_space<hbm>> -> memref<1x128xi32, #tpu.memory_space<hbm>>
      %dma_wait3A_57 = tpu.memref_squeeze %dma_wait3A_56 : memref<1x128xi32, #tpu.memory_space<hbm>> -> memref<128xi32, #tpu.memory_space<hbm>>
      %dma_wait3A_58 = arith.constant 0 : i32
      %dma_wait3A_59 = tpu.memref_slice %arg3[%add3A_8, %dma_wait3A_58] : memref<128x128xi32, #tpu.memory_space<hbm>> -> memref<1x128xi32, #tpu.memory_space<hbm>>
      %dma_wait3A_60 = tpu.memref_squeeze %dma_wait3A_59 : memref<1x128xi32, #tpu.memory_space<hbm>> -> memref<128xi32, #tpu.memory_space<hbm>>
      tpu.wait_dma2 semaphore(%run_scoped3A : memref<!tpu.dma_semaphore, #tpu.memory_space<semaphore_mem>>) src(%dma_wait3A_60 : memref<128xi32, #tpu.memory_space<hbm>>) dst(%arg7 : memref<128xi32, #tpu.memory_space<vmem>>)
      tpu.yield
    }) : () -> ()
    %add3A_9 = arith.constant 3 : i32
    %add3A_10 = arith.addi %mul3A_2, %add3A_9 : i32
    "tpu.region"() ({
      %run_scoped3A = tpu.sem_alloc : memref<!tpu.dma_semaphore, #tpu.memory_space<semaphore_mem>>
      %dma_start3A_49 = arith.constant 0 : i32
      %dma_start3A_50 = tpu.memref_slice %arg3[%add3A_10, %dma_start3A_49] : memref<128x128xi32, #tpu.memory_space<hbm>> -> memref<1x128xi32, #tpu.memory_space<hbm>>
      %dma_start3A_51 = tpu.memref_squeeze %dma_start3A_50 : memref<1x128xi32, #tpu.memory_space<hbm>> -> memref<128xi32, #tpu.memory_space<hbm>>
      %dma_start3A_52 = arith.constant 0 : i32
      %dma_start3A_53 = tpu.memref_slice %arg3[%add3A_10, %dma_start3A_52] : memref<128x128xi32, #tpu.memory_space<hbm>> -> memref<1x128xi32, #tpu.memory_space<hbm>>
      %dma_start3A_54 = tpu.memref_squeeze %dma_start3A_53 : memref<1x128xi32, #tpu.memory_space<hbm>> -> memref<128xi32, #tpu.memory_space<hbm>>
      tpu.enqueue_dma source(%dma_start3A_54 : memref<128xi32, #tpu.memory_space<hbm>>) target(%arg8 : memref<128xi32, #tpu.memory_space<vmem>>) target_semaphore(%run_scoped3A : memref<!tpu.dma_semaphore, #tpu.memory_space<semaphore_mem>>)
      %dma_wait3A_55 = arith.constant 0 : i32
      %dma_wait3A_56 = tpu.memref_slice %arg3[%add3A_10, %dma_wait3A_55] : memref<128x128xi32, #tpu.memory_space<hbm>> -> memref<1x128xi32, #tpu.memory_space<hbm>>
      %dma_wait3A_57 = tpu.memref_squeeze %dma_wait3A_56 : memref<1x128xi32, #tpu.memory_space<hbm>> -> memref<128xi32, #tpu.memory_space<hbm>>
      %dma_wait3A_58 = arith.constant 0 : i32
      %dma_wait3A_59 = tpu.memref_slice %arg3[%add3A_10, %dma_wait3A_58] : memref<128x128xi32, #tpu.memory_space<hbm>> -> memref<1x128xi32, #tpu.memory_space<hbm>>
      %dma_wait3A_60 = tpu.memref_squeeze %dma_wait3A_59 : memref<1x128xi32, #tpu.memory_space<hbm>> -> memref<128xi32, #tpu.memory_space<hbm>>
      tpu.wait_dma2 semaphore(%run_scoped3A : memref<!tpu.dma_semaphore, #tpu.memory_space<semaphore_mem>>) src(%dma_wait3A_60 : memref<128xi32, #tpu.memory_space<hbm>>) dst(%arg8 : memref<128xi32, #tpu.memory_space<vmem>>)
      tpu.yield
    }) : () -> ()
    %dma_start3A = arith.constant 0 : i32
    %dma_start3A_11 = arith.constant 0 : i32
    %dma_start3A_12 = tpu.memref_slice %arg2[%dma_start3A, %dma_start3A_11] : memref<1024x256xf32, #tpu.memory_space<hbm>> -> memref<1024x256xf32, #tpu.memory_space<hbm>>
    tpu.enqueue_indirect_dma source(%dma_start3A_12 : memref<1024x256xf32, #tpu.memory_space<hbm>>) target(%arg9 : memref<128x256xf32, #tpu.memory_space<vmem>>) offsets(%arg5 : memref<128xi32, #tpu.memory_space<vmem>>) semaphore(%arg11 : memref<!tpu.dma_semaphore, #tpu.memory_space<semaphore_mem>>)
    %dma_start3A_13 = arith.constant 0 : i32
    %dma_start3A_14 = arith.constant 0 : i32
    %dma_start3A_15 = tpu.memref_slice %arg2[%dma_start3A_13, %dma_start3A_14] : memref<1024x256xf32, #tpu.memory_space<hbm>> -> memref<1024x256xf32, #tpu.memory_space<hbm>>
    tpu.enqueue_indirect_dma source(%dma_start3A_15 : memref<1024x256xf32, #tpu.memory_space<hbm>>) target(%arg10 : memref<128x256xf32, #tpu.memory_space<vmem>>) offsets(%arg6 : memref<128xi32, #tpu.memory_space<vmem>>) semaphore(%arg12 : memref<!tpu.dma_semaphore, #tpu.memory_space<semaphore_mem>>)
    %dma_wait3A = arith.constant 0 : i32
    %dma_wait3A_16 = arith.constant 0 : i32
    %dma_wait3A_17 = tpu.memref_slice %arg2[%dma_wait3A, %dma_wait3A_16] : memref<1024x256xf32, #tpu.memory_space<hbm>> -> memref<1024x256xf32, #tpu.memory_space<hbm>>
    tpu.wait_indirect_dma semaphore(%arg11 : memref<!tpu.dma_semaphore, #tpu.memory_space<semaphore_mem>>) src(%dma_wait3A_17 : memref<1024x256xf32, #tpu.memory_space<hbm>>) dst(%arg9 : memref<128x256xf32, #tpu.memory_space<vmem>>)
    %add3A_18 = arith.constant 0 : i32
    %add3A_19 = arith.addi %mul3A_2, %add3A_18 : i32
    %mul3A_20 = arith.constant 128 : i32
    %mul3A_21 = arith.muli %add3A_19, %mul3A_20 : i32
    "tpu.region"() ({
      %run_scoped3A = tpu.sem_alloc : memref<!tpu.dma_semaphore, #tpu.memory_space<semaphore_mem>>
      %dma_start3A_49 = arith.constant 0 : i32
      %dma_start3A_50 = tpu.memref_slice %arg4[%mul3A_21, %dma_start3A_49] : memref<16384x256xf32, #tpu.memory_space<hbm>> -> memref<128x256xf32, #tpu.memory_space<hbm>>
      %dma_start3A_51 = arith.constant 0 : i32
      %dma_start3A_52 = tpu.memref_slice %arg4[%mul3A_21, %dma_start3A_51] : memref<16384x256xf32, #tpu.memory_space<hbm>> -> memref<128x256xf32, #tpu.memory_space<hbm>>
      tpu.enqueue_dma source(%arg9 : memref<128x256xf32, #tpu.memory_space<vmem>>) target(%dma_start3A_52 : memref<128x256xf32, #tpu.memory_space<hbm>>) target_semaphore(%run_scoped3A : memref<!tpu.dma_semaphore, #tpu.memory_space<semaphore_mem>>)
      %dma_wait3A_53 = arith.constant 0 : i32
      %dma_wait3A_54 = tpu.memref_slice %arg4[%mul3A_21, %dma_wait3A_53] : memref<16384x256xf32, #tpu.memory_space<hbm>> -> memref<128x256xf32, #tpu.memory_space<hbm>>
      %dma_wait3A_55 = arith.constant 0 : i32
      %dma_wait3A_56 = tpu.memref_slice %arg4[%mul3A_21, %dma_wait3A_55] : memref<16384x256xf32, #tpu.memory_space<hbm>> -> memref<128x256xf32, #tpu.memory_space<hbm>>
      tpu.wait_dma2 semaphore(%run_scoped3A : memref<!tpu.dma_semaphore, #tpu.memory_space<semaphore_mem>>) src(%arg9 : memref<128x256xf32, #tpu.memory_space<vmem>>) dst(%dma_wait3A_56 : memref<128x256xf32, #tpu.memory_space<hbm>>)
      tpu.yield
    }) : () -> ()
    %dma_start3A_22 = arith.constant 0 : i32
    %dma_start3A_23 = arith.constant 0 : i32
    %dma_start3A_24 = tpu.memref_slice %arg2[%dma_start3A_22, %dma_start3A_23] : memref<1024x256xf32, #tpu.memory_space<hbm>> -> memref<1024x256xf32, #tpu.memory_space<hbm>>
    tpu.enqueue_indirect_dma source(%dma_start3A_24 : memref<1024x256xf32, #tpu.memory_space<hbm>>) target(%arg9 : memref<128x256xf32, #tpu.memory_space<vmem>>) offsets(%arg7 : memref<128xi32, #tpu.memory_space<vmem>>) semaphore(%arg11 : memref<!tpu.dma_semaphore, #tpu.memory_space<semaphore_mem>>)
    %dma_wait3A_25 = arith.constant 0 : i32
    %dma_wait3A_26 = arith.constant 0 : i32
    %dma_wait3A_27 = tpu.memref_slice %arg2[%dma_wait3A_25, %dma_wait3A_26] : memref<1024x256xf32, #tpu.memory_space<hbm>> -> memref<1024x256xf32, #tpu.memory_space<hbm>>
    tpu.wait_indirect_dma semaphore(%arg12 : memref<!tpu.dma_semaphore, #tpu.memory_space<semaphore_mem>>) src(%dma_wait3A_27 : memref<1024x256xf32, #tpu.memory_space<hbm>>) dst(%arg10 : memref<128x256xf32, #tpu.memory_space<vmem>>)
    %add3A_28 = arith.constant 1 : i32
    %add3A_29 = arith.addi %mul3A_2, %add3A_28 : i32
    %mul3A_30 = arith.constant 128 : i32
    %mul3A_31 = arith.muli %add3A_29, %mul3A_30 : i32
    "tpu.region"() ({
      %run_scoped3A = tpu.sem_alloc : memref<!tpu.dma_semaphore, #tpu.memory_space<semaphore_mem>>
      %dma_start3A_49 = arith.constant 0 : i32
      %dma_start3A_50 = tpu.memref_slice %arg4[%mul3A_31, %dma_start3A_49] : memref<16384x256xf32, #tpu.memory_space<hbm>> -> memref<128x256xf32, #tpu.memory_space<hbm>>
      %dma_start3A_51 = arith.constant 0 : i32
      %dma_start3A_52 = tpu.memref_slice %arg4[%mul3A_31, %dma_start3A_51] : memref<16384x256xf32, #tpu.memory_space<hbm>> -> memref<128x256xf32, #tpu.memory_space<hbm>>
      tpu.enqueue_dma source(%arg10 : memref<128x256xf32, #tpu.memory_space<vmem>>) target(%dma_start3A_52 : memref<128x256xf32, #tpu.memory_space<hbm>>) target_semaphore(%run_scoped3A : memref<!tpu.dma_semaphore, #tpu.memory_space<semaphore_mem>>)
      %dma_wait3A_53 = arith.constant 0 : i32
      %dma_wait3A_54 = tpu.memref_slice %arg4[%mul3A_31, %dma_wait3A_53] : memref<16384x256xf32, #tpu.memory_space<hbm>> -> memref<128x256xf32, #tpu.memory_space<hbm>>
      %dma_wait3A_55 = arith.constant 0 : i32
      %dma_wait3A_56 = tpu.memref_slice %arg4[%mul3A_31, %dma_wait3A_55] : memref<16384x256xf32, #tpu.memory_space<hbm>> -> memref<128x256xf32, #tpu.memory_space<hbm>>
      tpu.wait_dma2 semaphore(%run_scoped3A : memref<!tpu.dma_semaphore, #tpu.memory_space<semaphore_mem>>) src(%arg10 : memref<128x256xf32, #tpu.memory_space<vmem>>) dst(%dma_wait3A_56 : memref<128x256xf32, #tpu.memory_space<hbm>>)
      tpu.yield
    }) : () -> ()
    %dma_start3A_32 = arith.constant 0 : i32
    %dma_start3A_33 = arith.constant 0 : i32
    %dma_start3A_34 = tpu.memref_slice %arg2[%dma_start3A_32, %dma_start3A_33] : memref<1024x256xf32, #tpu.memory_space<hbm>> -> memref<1024x256xf32, #tpu.memory_space<hbm>>
    tpu.enqueue_indirect_dma source(%dma_start3A_34 : memref<1024x256xf32, #tpu.memory_space<hbm>>) target(%arg10 : memref<128x256xf32, #tpu.memory_space<vmem>>) offsets(%arg8 : memref<128xi32, #tpu.memory_space<vmem>>) semaphore(%arg12 : memref<!tpu.dma_semaphore, #tpu.memory_space<semaphore_mem>>)
    %dma_wait3A_35 = arith.constant 0 : i32
    %dma_wait3A_36 = arith.constant 0 : i32
    %dma_wait3A_37 = tpu.memref_slice %arg2[%dma_wait3A_35, %dma_wait3A_36] : memref<1024x256xf32, #tpu.memory_space<hbm>> -> memref<1024x256xf32, #tpu.memory_space<hbm>>
    tpu.wait_indirect_dma semaphore(%arg11 : memref<!tpu.dma_semaphore, #tpu.memory_space<semaphore_mem>>) src(%dma_wait3A_37 : memref<1024x256xf32, #tpu.memory_space<hbm>>) dst(%arg9 : memref<128x256xf32, #tpu.memory_space<vmem>>)
    %add3A_38 = arith.constant 2 : i32
    %add3A_39 = arith.addi %mul3A_2, %add3A_38 : i32
    %mul3A_40 = arith.constant 128 : i32
    %mul3A_41 = arith.muli %add3A_39, %mul3A_40 : i32
    "tpu.region"() ({
      %run_scoped3A = tpu.sem_alloc : memref<!tpu.dma_semaphore, #tpu.memory_space<semaphore_mem>>
      %dma_start3A_49 = arith.constant 0 : i32
      %dma_start3A_50 = tpu.memref_slice %arg4[%mul3A_41, %dma_start3A_49] : memref<16384x256xf32, #tpu.memory_space<hbm>> -> memref<128x256xf32, #tpu.memory_space<hbm>>
      %dma_start3A_51 = arith.constant 0 : i32
      %dma_start3A_52 = tpu.memref_slice %arg4[%mul3A_41, %dma_start3A_51] : memref<16384x256xf32, #tpu.memory_space<hbm>> -> memref<128x256xf32, #tpu.memory_space<hbm>>
      tpu.enqueue_dma source(%arg9 : memref<128x256xf32, #tpu.memory_space<vmem>>) target(%dma_start3A_52 : memref<128x256xf32, #tpu.memory_space<hbm>>) target_semaphore(%run_scoped3A : memref<!tpu.dma_semaphore, #tpu.memory_space<semaphore_mem>>)
      %dma_wait3A_53 = arith.constant 0 : i32
      %dma_wait3A_54 = tpu.memref_slice %arg4[%mul3A_41, %dma_wait3A_53] : memref<16384x256xf32, #tpu.memory_space<hbm>> -> memref<128x256xf32, #tpu.memory_space<hbm>>
      %dma_wait3A_55 = arith.constant 0 : i32
      %dma_wait3A_56 = tpu.memref_slice %arg4[%mul3A_41, %dma_wait3A_55] : memref<16384x256xf32, #tpu.memory_space<hbm>> -> memref<128x256xf32, #tpu.memory_space<hbm>>
      tpu.wait_dma2 semaphore(%run_scoped3A : memref<!tpu.dma_semaphore, #tpu.memory_space<semaphore_mem>>) src(%arg9 : memref<128x256xf32, #tpu.memory_space<vmem>>) dst(%dma_wait3A_56 : memref<128x256xf32, #tpu.memory_space<hbm>>)
      tpu.yield
    }) : () -> ()
    %dma_wait3A_42 = arith.constant 0 : i32
    %dma_wait3A_43 = arith.constant 0 : i32
    %dma_wait3A_44 = tpu.memref_slice %arg2[%dma_wait3A_42, %dma_wait3A_43] : memref<1024x256xf32, #tpu.memory_space<hbm>> -> memref<1024x256xf32, #tpu.memory_space<hbm>>
    tpu.wait_indirect_dma semaphore(%arg12 : memref<!tpu.dma_semaphore, #tpu.memory_space<semaphore_mem>>) src(%dma_wait3A_44 : memref<1024x256xf32, #tpu.memory_space<hbm>>) dst(%arg10 : memref<128x256xf32, #tpu.memory_space<vmem>>)
    %add3A_45 = arith.constant 3 : i32
    %add3A_46 = arith.addi %mul3A_2, %add3A_45 : i32
    %mul3A_47 = arith.constant 128 : i32
    %mul3A_48 = arith.muli %add3A_46, %mul3A_47 : i32
    "tpu.region"() ({
      %run_scoped3A = tpu.sem_alloc : memref<!tpu.dma_semaphore, #tpu.memory_space<semaphore_mem>>
      %dma_start3A_49 = arith.constant 0 : i32
      %dma_start3A_50 = tpu.memref_slice %arg4[%mul3A_48, %dma_start3A_49] : memref<16384x256xf32, #tpu.memory_space<hbm>> -> memref<128x256xf32, #tpu.memory_space<hbm>>
      %dma_start3A_51 = arith.constant 0 : i32
      %dma_start3A_52 = tpu.memref_slice %arg4[%mul3A_48, %dma_start3A_51] : memref<16384x256xf32, #tpu.memory_space<hbm>> -> memref<128x256xf32, #tpu.memory_space<hbm>>
      tpu.enqueue_dma source(%arg10 : memref<128x256xf32, #tpu.memory_space<vmem>>) target(%dma_start3A_52 : memref<128x256xf32, #tpu.memory_space<hbm>>) target_semaphore(%run_scoped3A : memref<!tpu.dma_semaphore, #tpu.memory_space<semaphore_mem>>)
      %dma_wait3A_53 = arith.constant 0 : i32
      %dma_wait3A_54 = tpu.memref_slice %arg4[%mul3A_48, %dma_wait3A_53] : memref<16384x256xf32, #tpu.memory_space<hbm>> -> memref<128x256xf32, #tpu.memory_space<hbm>>
      %dma_wait3A_55 = arith.constant 0 : i32
      %dma_wait3A_56 = tpu.memref_slice %arg4[%mul3A_48, %dma_wait3A_55] : memref<16384x256xf32, #tpu.memory_space<hbm>> -> memref<128x256xf32, #tpu.memory_space<hbm>>
      tpu.wait_dma2 semaphore(%run_scoped3A : memref<!tpu.dma_semaphore, #tpu.memory_space<semaphore_mem>>) src(%arg10 : memref<128x256xf32, #tpu.memory_space<vmem>>) dst(%dma_wait3A_56 : memref<128x256xf32, #tpu.memory_space<hbm>>)
      tpu.yield
    }) : () -> ()
    return
  }
}

module attributes {stable_mosaic.version = 14 : i64} {
  func.func @_tc_transpose_body(%arg0: i32, %arg1: memref<1x1024x256xf32, #tpu.memory_space<vmem>>, %arg2: memref<1x256x1024xf32, #tpu.memory_space<vmem>>) attributes {dimension_semantics = [#tpu.dimension_semantics<arbitrary>], iteration_bounds = array<i64: 16>, scalar_prefetch = 0 : i64, scratch_operands = 0 : i64, tpu.core_type = #tpu.core_type<tc>, window_params = [{transform_indices = @transform_0, window_bounds = array<i64: 1, 1024, 256>}, {transform_indices = @transform_1, window_bounds = array<i64: 1, 256, 1024>}]} {
    %get3A = arith.constant 0 : index
    %get3A_0 = arith.constant 0 : index
    %get3A_1 = arith.constant 0 : index
    %get3A_2 = vector.load %arg1[%get3A, %get3A_0, %get3A_1] : memref<1x1024x256xf32, #tpu.memory_space<vmem>>, vector<1x1024x256xf32>
    %get3A_3 = vector.shape_cast %get3A_2 : vector<1x1024x256xf32> to vector<1024x256xf32>
    %transpose3A = tpu.transpose %get3A_3, [1, 0] : vector<1024x256xf32> -> vector<256x1024xf32>
    %swap3A = arith.constant 0 : index
    %swap3A_4 = arith.constant 0 : index
    %swap3A_5 = arith.constant 0 : index
    %swap3A_6 = vector.load %arg2[%swap3A, %swap3A_4, %swap3A_5] : memref<1x256x1024xf32, #tpu.memory_space<vmem>>, vector<1x256x1024xf32>
    %swap3A_7 = vector.shape_cast %swap3A_6 : vector<1x256x1024xf32> to vector<256x1024xf32>
    %swap3A_8 = vector.shape_cast %transpose3A : vector<256x1024xf32> to vector<1x256x1024xf32>
    tpu.vector_store %arg2[%swap3A, %swap3A_4, %swap3A_5], %swap3A_8 {strides = array<i32>} : memref<1x256x1024xf32, #tpu.memory_space<vmem>>, vector<1x256x1024xf32>,
    return
  }
  func.func @transform_0(%arg0: i32) -> (i32, i32, i32) {
    %c0_i32 = arith.constant 0 : i32
    %c0_i32_0 = arith.constant 0 : i32
    %c0_i32_1 = arith.constant 0 : i32
    return %arg0, %c0_i32, %c0_i32_0 : i32, i32, i32
  }
  func.func @transform_1(%arg0: i32) -> (i32, i32, i32) {
    %c0_i32 = arith.constant 0 : i32
    %c0_i32_0 = arith.constant 0 : i32
    %c0_i32_1 = arith.constant 0 : i32
    return %arg0, %c0_i32, %c0_i32_0 : i32, i32, i32
  }
}

module attributes {stable_mosaic.version = 14 : i64} {
  func.func @_tc_idx_body(%arg0: i32, %arg1: memref<1x256x1024xf32, #tpu.memory_space<vmem>>, %arg2: memref<1024x256xf32, #tpu.memory_space<vmem>>, %arg3: memref<1x1x1024xi32, #tpu.memory_space<vmem>>) attributes {dimension_semantics = [#tpu.dimension_semantics<arbitrary>], iteration_bounds = array<i64: 16>, scalar_prefetch = 0 : i64, scratch_operands = 0 : i64, tpu.core_type = #tpu.core_type<tc>, window_params = [{transform_indices = @transform_0, window_bounds = array<i64: 1, 256, 1024>}, {pipeline_mode = #tpu.pipeline_mode<synchronous>, transform_indices = @transform_1, window_bounds = array<i64: 1024, 256>}, {transform_indices = @transform_2, window_bounds = array<i64: 1, 1, 1024>}]} {
    %get3A = arith.constant 0 : index
    %get3A_0 = arith.constant 0 : index
    %get3A_1 = arith.constant 0 : index
    %get3A_2 = vector.load %arg1[%get3A, %get3A_0, %get3A_1] : memref<1x256x1024xf32, #tpu.memory_space<vmem>>, vector<1x256x1024xf32>
    %get3A_3 = vector.shape_cast %get3A_2 : vector<1x256x1024xf32> to vector<256x1024xf32>
    %get3A_4 = arith.constant 0 : index
    %get3A_5 = arith.constant 0 : index
    %get3A_6 = vector.load %arg2[%get3A_4, %get3A_5] : memref<1024x256xf32, #tpu.memory_space<vmem>>, vector<1024x256xf32>
    %mul3A = arith.mulf %get3A_3, %get3A_3 : vector<256x1024xf32>
    %reduce_sum3A = arith.constant dense<0.000000e+00> : vector<1024xf32>
    %reduce_sum3A_7 = vector.multi_reduction <add>, %mul3A, %reduce_sum3A [0] : vector<256x1024xf32> to vector<1024xf32>
    %broadcast_in_dim3A = vector.shape_cast %reduce_sum3A_7 : vector<1024xf32> to vector<1x1024xf32>
    %mul3A_8 = arith.mulf %get3A_6, %get3A_6 : vector<1024x256xf32>
    %reduce_sum3A_9 = arith.constant dense<0.000000e+00> : vector<1024xf32>
    %reduce_sum3A_10 = vector.multi_reduction <add>, %mul3A_8, %reduce_sum3A_9 [1] : vector<1024x256xf32> to vector<1024xf32>
    %broadcast_in_dim3A_11 = vector.shape_cast %reduce_sum3A_10 : vector<1024xf32> to vector<1024x1xf32>
    %dot_general3A = arith.constant dense<0.000000e+00> : vector<1024x1024xf32>
    %dot_general3A_12 = tpu.matmul %get3A_6, %get3A_3, %dot_general3A {dimension_numbers = #tpu.dot_dimension_numbers<[1], [0], [0], [1], [0, 0, 1, 1], [], []>, transpose_lhs_hint = false} : vector<1024x256xf32>, vector<256x1024xf32>, vector<1024x1024xf32> -> vector<1024x1024xf32>
    %add3A = vector.broadcast %broadcast_in_dim3A : vector<1x1024xf32> to vector<1024x1024xf32>
    %add3A_13 = vector.broadcast %broadcast_in_dim3A_11 : vector<1024x1xf32> to vector<1024x1024xf32>
    %add3A_14 = arith.addf %add3A, %add3A_13 : vector<1024x1024xf32>
    %mul3A_15 = arith.constant 2.000000e+00 : f32
    %mul3A_16 = vector.broadcast %mul3A_15 : f32 to vector<1024x1024xf32>
    %mul3A_17 = arith.mulf %mul3A_16, %dot_general3A_12 : vector<1024x1024xf32>
    %sub3A = arith.subf %add3A_14, %mul3A_17 : vector<1024x1024xf32>
    %iota3A = tpu.iota {dimensions = array<i32: 0>} : vector<1024x1024xi32>
    %reduce_min3A = arith.constant dense<0x7F800000> : vector<1024xf32>
    %reduce_min3A_18 = vector.multi_reduction <minimumf>, %sub3A, %reduce_min3A [0] : vector<1024x1024xf32> to vector<1024xf32>
    %broadcast_in_dim3A_19 = vector.shape_cast %reduce_min3A_18 : vector<1024xf32> to vector<1x1024xf32>
    %eq3A = vector.broadcast %broadcast_in_dim3A_19 : vector<1x1024xf32> to vector<1024x1024xf32>
    %eq3A_20 = arith.cmpf oeq, %sub3A, %eq3A : vector<1024x1024xf32>
    %jit3A = arith.constant 1024 : i32
    %broadcast_in_dim3A_21 = vector.broadcast %jit3A : i32 to vector<1024x1024xi32>
    %select_n3A = arith.select %eq3A_20, %iota3A, %broadcast_in_dim3A_21 : vector<1024x1024xi1>, vector<1024x1024xi32>
    %reduce_min3A_22 = arith.constant dense<2147483647> : vector<1024xi32>
    %reduce_min3A_23 = vector.multi_reduction <minsi>, %select_n3A, %reduce_min3A_22 [0] : vector<1024x1024xi32> to vector<1024xi32>
    %broadcast_in_dim3A_24 = vector.shape_cast %reduce_min3A_23 : vector<1024xi32> to vector<1x1024xi32>
    %swap3A = arith.constant 0 : index
    %swap3A_25 = arith.constant 0 : index
    %swap3A_26 = arith.constant 0 : index
    %swap3A_27 = vector.load %arg3[%swap3A, %swap3A_25, %swap3A_26] : memref<1x1x1024xi32, #tpu.memory_space<vmem>>, vector<1x1x1024xi32>
    %swap3A_28 = vector.shape_cast %swap3A_27 : vector<1x1x1024xi32> to vector<1x1024xi32>
    %swap3A_29 = vector.shape_cast %broadcast_in_dim3A_24 : vector<1x1024xi32> to vector<1x1x1024xi32>
    tpu.vector_store %arg3[%swap3A, %swap3A_25, %swap3A_26], %swap3A_29 {strides = array<i32>} : memref<1x1x1024xi32, #tpu.memory_space<vmem>>, vector<1x1x1024xi32>,
    return
  }
  func.func @transform_0(%arg0: i32) -> (i32, i32, i32) {
    %c0_i32 = arith.constant 0 : i32
    %c0_i32_0 = arith.constant 0 : i32
    %c0_i32_1 = arith.constant 0 : i32
    return %arg0, %c0_i32, %c0_i32_0 : i32, i32, i32
  }
  func.func @transform_1(%arg0: i32) -> (i32, i32) {
    %c0_i32 = arith.constant 0 : i32
    %c0_i32_0 = arith.constant 0 : i32
    %c0_i32_1 = arith.constant 0 : i32
    return %c0_i32, %c0_i32_0 : i32, i32
  }
  func.func @transform_2(%arg0: i32) -> (i32, i32, i32) {
    %c0_i32 = arith.constant 0 : i32
    %c0_i32_0 = arith.constant 0 : i32
    %c0_i32_1 = arith.constant 0 : i32
    return %arg0, %c0_i32, %c0_i32_0 : i32, i32, i32
  }
}

</mosaic_0001>

<sc_bundles>
// kernel: kernel.5.cloned.1.call-start
scs
__scs_entry_jumppad:
0x0: {  	(pc) =	sbr.rel $0x88, $3  }
0x1: {  	(tag) =	ssettag $0x0;
	lr =	simm.s32 $0x1  }
0x2: {  	[smem:$0x3F9F] =	sst lr;
	_ =	strace $0xD0000000  }
0x3: {  	_ = 	snop  }
0x4: {  	_ = 	snop  }
0x5: {  	_ = 	snop  }
0x6: {  	_ = 	snop  }
0x7: {  	_ = 	snop  }
__scs_overlays_trampoline_lowered:
0x8: {  	[smem:$0x3FAE] =	sst s0  }
0x9: {  	[smem:$0x3FAF] =	sst s1  }
0xa: {  	[smem:$0x3FB0] =	sst s2  }
0xb: {  	[smem:$0x3FB1] =	sst s3  }
0xc: {  	[smem:$0x3FB2] =	sst s4  }
0xd: {  	[smem:$0x3FB3] =	sst s5  }
0xe: {  	[smem:$0x3FB4] =	sst s6  }
0xf: {  	[smem:$0x3FB5] =	sst s7  }
0x10: {  	[smem:$0x3FB6] =	sst s8  }
0x11: {  	[smem:$0x3FB7] =	sst s9;
	s0 =	simm.s32 @!p0 $0x0  }
0x12: {  	s1 =	sld [smem:$0x3F9D];
	s0 =	simm.s32 @p0 $0x1  }
0x13: {  	[smem:$0x3FB8] =	sst s0;
	s0 =	simm.s32 @!p1 $0x0  }
0x14: {  	s2 =	sld [smem:$0x3F9C];
	s0 =	simm.s32 @p1 $0x1  }
0x15: {  	[smem:$0x3FB9] =	sst s0;
	s0 =	simm.s32 @!p2 $0x0  }
0x16: {  	s3 =	sld [smem:$0x3FDB];
	s0 =	simm.s32 @p2 $0x1  }
0x17: {  	s4 =	simm.s32 $0x1BF5;
	[smem:$0x3FBB] =	sst s0  }
0x18: {  	s0 =	sld [smem:$0x3F9E];
	_ =	swait.ge [sflag:s4], $0x0  }
0x19: {  	s7 =	sld [smem:$0x3F9F]  }
0x1a: {  	s8 =	sadd.s32 $0xFFFFE003, lr  }
0x1b: {  	s9 =	sadd.s32 $0xFFFFFEF7, lr;
	s5 =	simm.s32 $0xFFFFFFFF;
	p2 =	slt.u32 s8, $0xFFFFF086  }
0x1c: {  	p1 =	slt.u32 s9, $0xF7A;
	s5 =	simm.s32 @!p2 $0x0  }
0x1d: {  	s5 =	simm.s32 @p1 $0x1;
	p0 =	seq.s32 s7, s2  }
0x1e: {  	s7 =	smul.u32 @!p0 $0xF7A, s2;
	p2 =	seq.s32 @!p0 s5, $0x0  }
0x1f: {  	s9 =	smul.u32 $0xF7A, s1;
	s8 =	simm.s32 @!p0 $0x1BF5;
	p2 =	por !p2, p0  }
0x20: {  	[sflag:s8] =	ssyncset.s32 @!p0 $0xFFFFF086;
	s6 =	sadd.s32 @!p0 s3, s7;
	s7 =	simm.s32 @!p0 $0x108  }
0x21: {  	s3 =	sadd.s32 s3, s9;
	s6 =	sadd.s32 @!p0 $0x88, s6;
	s7 =	simm.s32 @p2 $0x1082  }
0x22: {  	[simem:s7], [sflag:s8] =	dma.local @!p0 [hbm:s6], $0xF7A  }
0x23: {  	s9 =	sor.u32 $0xD0000000, s2;
	s6 =	simm.s32 $0x108;
	_ =	swait.ge @!p0 [sflag:s8], $0x0  }
0x24: {  	s3 =	sadd.s32 $0x88, s3;
	s6 =	simm.s32 @!p1 $0x1082;
	[sflag:s4] =	ssyncset.s32 $0xFFFFF086  }
0x25: {  	[simem:s6], [sflag:s4] =	dma.local [hbm:s3], $0xF7A  }
0x26: {  	[smem:$0x3F9F] =	sst s1;
	(tag) =	ssettag s2;
	_ =	strace s9  }
0x27: {  	s1 =	sld [smem:$0x3FAF]  }
0x28: {  	s2 =	sld [smem:$0x3FB0]  }
0x29: {  	s4 =	sld [smem:$0x3FB2]  }
0x2a: {  	p0 =	seq.s32 s5, $0x0;
	s5 =	sld [smem:$0x3FB3]  }
0x2b: {  	s6 =	sld [smem:$0x3FB4]  }
0x2c: {  	s7 =	sld [smem:$0x3FB5]  }
0x2d: {  	s3 =	simm.s32 $0x108;
	s8 =	sld [smem:$0x3FB6]  }
0x2e: {  	s3 =	simm.s32 @!p0 $0x1082;
	s9 =	sld [smem:$0x3FB7]  }
0x2f: {  	lr =	sadd.s32 s0, s3;
	s0 =	sld [smem:$0x3FAE]  }
0x30: {  	s3 =	sld [smem:$0x3FB1]  }
0x31: {  	[smem:$0x3FBA] =	sst s10  }
0x32: {  	s10 =	sld [smem:$0x3FB8];
	_ =	sdelay $0x3  }
0x33: {  	p0 =	seq.s32 s10, $0x1;
	s10 =	sld [smem:$0x3FBA];
	_ =	sdelay $0x3  }
0x34: {  	[smem:$0x3FBA] =	sst s10  }
0x35: {  	s10 =	sld [smem:$0x3FB9];
	_ =	sdelay $0x3  }
0x36: {  	p1 =	seq.s32 s10, $0x1;
	s10 =	sld [smem:$0x3FBA];
	_ =	sdelay $0x3  }
0x37: {  	[smem:$0x3FBA] =	sst s10  }
0x38: {  	s10 =	sld [smem:$0x3FBB]  }
0x39: {  	_ = 	snop;
	(pc) =	sbr.ind lr, $3  }
0x3a: {  	_ = 	snop  }
0x3b: {  	_ = 	snop  }
0x3c: {  	p2 =	seq.s32 s10, $0x1;
	s10 =	sld [smem:$0x3FBA]  }
0x3d: {  	_ =	shalt  }
0x3e: {  	_ =	shalt  }
0x3f: {  	_ =	shalt  }
0x40: {  	_ =	shalt  }
0x41: {  	_ =	shalt  }
0x42: {  	_ =	shalt  }
0x43: {  	_ =	shalt  }
0x44: {  	_ =	shalt  }
0x45: {  	_ =	shalt  }
0x46: {  	_ =	shalt  }
0x47: {  	_ =	shalt  }
0x48: {  	_ =	shalt  }
0x49: {  	_ =	shalt  }
0x4a: {  	_ =	shalt  }
0x4b: {  	_ =	shalt  }
0x4c: {  	_ =	shalt  }
0x4d: {  	_ =	shalt  }
0x4e: {  	_ =	shalt  }
0x4f: {  	_ =	shalt  }
0x50: {  	_ =	shalt  }
0x51: {  	_ =	shalt  }
0x52: {  	_ =	shalt  }
0x53: {  	_ =	shalt  }
0x54: {  	_ =	shalt  }
0x55: {  	_ =	shalt  }
0x56: {  	_ =	shalt  }
0x57: {  	_ =	shalt  }
0x58: {  	_ =	shalt  }
0x59: {  	_ =	shalt  }
0x5a: {  	_ =	shalt  }
0x5b: {  	_ =	shalt  }
0x5c: {  	_ =	shalt  }
0x5d: {  	_ =	shalt  }
0x5e: {  	_ =	shalt  }
0x5f: {  	_ =	shalt  }
0x60: {  	_ =	shalt  }
0x61: {  	_ =	shalt  }
0x62: {  	_ =	shalt  }
0x63: {  	_ =	shalt  }
0x64: {  	_ =	shalt  }
0x65: {  	_ =	shalt  }
0x66: {  	_ =	shalt  }
0x67: {  	_ =	shalt  }
0x68: {  	_ =	shalt  }
0x69: {  	_ =	shalt  }
0x6a: {  	_ =	shalt  }
0x6b: {  	_ =	shalt  }
0x6c: {  	_ =	shalt  }
0x6d: {  	_ =	shalt  }
0x6e: {  	_ =	shalt  }
0x6f: {  	_ =	shalt  }
0x70: {  	_ =	shalt  }
0x71: {  	_ =	shalt  }
0x72: {  	_ =	shalt  }
0x73: {  	_ =	shalt  }
0x74: {  	_ =	shalt  }
0x75: {  	_ =	shalt  }
0x76: {  	_ =	shalt  }
0x77: {  	_ =	shalt  }
0x78: {  	_ =	shalt  }
0x79: {  	_ =	shalt  }
0x7a: {  	_ =	shalt  }
0x7b: {  	_ =	shalt  }
0x7c: {  	_ =	shalt  }
0x7d: {  	_ =	shalt  }
0x7e: {  	_ =	shalt  }
0x7f: {  	_ =	shalt  }
0x80: {  	_ =	shalt  }
0x81: {  	_ =	shalt  }
0x82: {  	_ =	shalt  }
0x83: {  	_ =	shalt  }
0x84: {  	_ =	shalt  }
0x85: {  	_ =	shalt  }
0x86: {  	_ =	shalt  }
0x87: {  	_ =	shalt  }
.Lfunc_end0:
.L_simem_size_0:
called_computation_lowered:
.L_overlay_start_0:
0x88: {  	s2 =	sld [smem:$0x3FD9]  }
0x89: {  	s3 =	sld [smem:$0x3FFE];
	_ =	sdelay $0x1  }
0x8a: {  	s1 =	srdreg.scid  }
0x8b: {  	s0 =	sand.u32 $0x1, s1  }
0x8c: {  	s17 =	sshll.u32 s0, $0xA;
	s2 =	sadd.s32 s3, s2  }
0x8d: {  	s2 =	sadd.s32 s2, s17  }
0x8e: {  	[smem:$0x3FC6] =	sst s2  }
0x8f: {  	_ = 	snop  }
0x90: {  	s2 =	sld [smem:$0x3FC8]  }
0x91: {  	s18 =	sld [smem:$0x3FD0];
	(tm) =	ssettm $0x1  }
0x92: {  	s4 =	sld [smem:$0x3FFB];
	_ =	sdelay $0x3  }
0x93: {  	_ =	strace s4  }
0x94: {  	s4 =	sld [smem:$0x3FFC];
	_ =	sdelay $0x3  }
0x95: {  	_ =	strace s4  }
0x96: {  	s4 =	sld [smem:$0x3FFD];
	_ =	sdelay $0x3  }
0x97: {  	_ =	strace s4  }
0x98: {  	_ =	strace $0x8FFFFFFF  }
0x99: {  	s19 =	sld [smem:$0x3FDB];
	_ =	sdelay $0x1  }
0x9a: {  	s5 =	simm.s32 $_scs_section_size  }
0x9b: {  	s6 =	simm.s32 $_size__tile_overlayer_lowered;
	s7 =	simm.s32 $_tile_overlayer_lowered  }
0x9c: {  	s22 =	simm.s32 $0x1BFF;
	s21 =	sshll.u32 s7, $0x1;
	s4 =	sadd.s32 s5, s19  }
0x9d: {  	s8 =	simm.s32 $0x0;
	s20 =	sshll.u32 s6, $0x1;
	s6 =	sadd.s32 s21, s4  }
0x9e: {  	[timem:s8], [sflag:s22] =	dma.local [hbm:s6], s20  }
0x9f: {  	_ =	swait.ge [sflag:s22], s20  }
0xa0: {  	s5 =	ssub.s32 $0x0, s20;
	[sflag:s22] =	ssyncset.done $0x0  }
0xa1: {  	[sflag:s22] =	ssyncadd.s32 s5;
	_ =	sdelay $0x1  }
0xa2: {  	s23 =	simm.s32 $0x1B8B  }
0xa3: {  	_ =	swait.ge [sflag:s23], $0x1  }
0xa4: {  	[sflag:s23] =	ssyncset.done $0x0  }
0xa5: {  	s25 =	simm.s32 $0x1B8E;
	s24 =	sld [smem:$0x3FFE];
	[sflag:s23] =	ssyncadd.s32 $0xFFFFFFFF  }
0xa6: {  	s26 =	simm.s32 $execute0_lowered;
	[smem:$0x3FD2] =	sst s25  }
0xa7: {  	s6 =	sshll.u32 s26, $0x1;
	_ =	strace $0x80000046;
	[dreg:$0x1] =	wrdreg $0xFFFFFFFF  }
0xa8: {  	s28 =	simm.s32 $_size_execute0_lowered;
	s4 =	sadd.s32 s4, s6;
	[dreg:$0x0] =	wrdreg $0x0  }
0xa9: {  	s6 =	sshll.u32 s28, $0x1;
	[dreg:$0x2] =	wrdreg s4  }
0xaa: {  	[dreg:$0x3] =	wrdreg s6  }
0xab: {  	[dreg:$0x4] =	wrdreg $0xC0  }
0xac: {  	_ =	task [dreg:s8], $0x5FFFF  }
0xad: {  	[dreg:$0x1] =	wrdreg $0xFFFFFFFF  }
0xae: {  	[dreg:$0x0] =	wrdreg $0x60  }
0xaf: {  	[dreg:$0x2] =	wrdreg s2  }
0xb0: {  	[dreg:$0x3] =	wrdreg s24  }
0xb1: {  	[dreg:$0x4] =	wrdreg s18  }
0xb2: {  	[dreg:$0x5] =	wrdreg $0x9  }
0xb3: {  	_ =	task.clear_ibuf [dreg:s8], $0x6FFFF;
	_ =	strace $0x90000046  }
0xb4: {  	s29 =	simm.s32 $0x9;
	_ =	strace $0x80000048  }
0xb5: {  	_ =	swait.ge [sflag:s29], $0x1  }
0xb6: {  	[sflag:s29] =	ssyncadd.s32 $0xFFFFFFFF  }
0xb7: {  	_ =	strace $0x90000048  }
0xb8: {  	_ =	sfence  }
0xb9: {  	s30 =	sld [smem:$0x0];
	_ =	sdelay $0x2  }
0xba: {  	s31 =	sshll.u32 s1, $0xD;
	s1 =	sshrl.u32 s1, $0x2  }
0xbb: {  	s3 =	sand.u32 $0x4000, s31;
	s1 =	sadd.s32 s1, s30  }
0xbc: {  	s0 =	sor.u32 s3, s0;
	s1 =	sshll.u32 s1, $0x11  }
0xbd: {  	s0 =	sor.u32 s1, s0  }
0xbe: {  	s0 =	sadd.s32 $0x8F2B, s0  }
0xbf: {  	[sflag:s0] =	ssyncadd.remote.s32 $0x1  }
0xc0: {  	_ =	sfence.sel $0xFFFF  }
0xc1: {  	[dreg:$0x0] =	wrdreg $0xFFFFFFFF;
	(pc) =	sbr.abs _section_cstart, $3  }
0xc2: {  	[dreg:$0x1] =	wrdreg $0xFFFFFFFF  }
0xc3: {  	_ =	task.clear_ibuf [dreg:s8], $0x2FFFF;
	_ =	strace $0x9FFFFFFF  }
0xc4: {  	(tm) =	ssettm $0x7FFFFFFF  }
0xc5: {  	_ =	shalt  }
tec
execute0_lowered:
.L_overlay_start_1:
0x0: {  	(tag) =	ssettag $0x1  }
0x1: {  	s1 =	rddreg [dreg:$0x0]  }
0x2: {  	s0 =	rddreg [dreg:$0x1]  }
0x3: {  	s2 =	rddreg [dreg:$0x2];
	s4 =	srdreg.scid;
	s3 =	simm.s32 $0x0  }
0x4: {  	s6 =	stileid.u32;
	s24 =	simm.s32 $0x80;
	s25 =	simm.s32 $0x100  }
0x5: {  	s26 =	simm.s32 $0x180;
	s28 =	simm.s32 $0x6200;
	s29 =	simm.s32 $0x6A00  }
0x6: {  	s30 =	simm.s32 $0x7200;
	s31 =	simm.s32 $0x7A00;
	s13 =	simm.s32 $0xD200  }
0x7: {  	s4 =	sand.u32 $0x1, s4;
	s5 =	sshll.u32 s6, $0x1;
	[smem:$0x7FF] =	sst s3  }
0x8: {  	s6 =	sshll.u32 s6, $0xA;
	_ =	strace $0x80000047;
	[dreg:$0xc] =	wrdreg s24  }
0x9: {  	s0 =	sadd.s32 $0x800, s0;
	s7 =	sshll.u32 s4, $0x9;
	[dreg:$0xd] =	wrdreg s25  }
0xa: {  	s5 =	sor.u32 s4, s5;
	s4 =	ssub.s32 $0x2, s4;
	[dreg:$0xe] =	wrdreg s26  }
0xb: {  	s24 =	simm.s32 $0x4A00;
	s25 =	simm.s32 $0x5200;
	s26 =	simm.s32 $0x5A00  }
0xc: {  	s7 =	sor.u32 s7, s6;
	s8 =	sshll.u32 s5, $0x2;
	s11 =	sshllo.u32 s5, $0x2  }
0xd: {  	s5 =	sshll.u32 s5, $0xE;
	s23 =	sshrl.u32 s4, $0x1;
	s7 =	sshrl.u32 s7, $0x3  }
0xe: {  	s9 =	sor.u32 $0x1, s8;
	s8 =	sor.u32 $0x2, s8;
	s12 =	sshll.u32 s11, $0x7  }
0xf: {  	s16 =	sadd.s32 s2, s5;
	s21 =	sshll.u32 s11, $0xC;
	s5 =	simm.s32 $0x3  }
0x10: {  	s11 =	simm.s32 $0xBA00;
	s7 =	sadd.s32 s0, s7;
	s14 =	sshll.u32 s9, $0x7  }
0x11: {  	s10 =	sshll.u32 s8, $0x7;
	s12 =	sand.u32 $0x380, s12;
	s17 =	sshll.u32 s9, $0xC  }
0x12: {  	[dreg:$0x8] =	wrdreg s16;
	s19 =	sshll.u32 s8, $0xC;
	s22 =	sadd.s32 s2, s21  }
0x13: {  	s16 =	simm.s32 $0x1200;
	s21 =	simm.s32 $0x3A00;
	s8 =	simm.s32 $0xA200  }
0x14: {  	s9 =	simm.s32 $0xAA00;
	[dreg:$0x4] =	wrdreg s7;
	s7 =	sand.u32 $0x280, s14  }
0x15: {  	s10 =	sand.u32 $0x300, s10;
	s18 =	sadd.s32 s2, s17;
	s20 =	sadd.s32 s2, s19  }
0x16: {  	[dreg:$0xb] =	wrdreg s22;
	s2 =	ssub.s32 s4, s23;
	s17 =	simm.s32 $0x1A00  }
0x17: {  	s19 =	simm.s32 $0x2A00;
	s23 =	simm.s32 $0x4200;
	s22 =	simm.s32 $0xCA00  }
0x18: {  	s7 =	sor.u32 s6, s7;
	s10 =	sor.u32 s6, s10;
	[dreg:$0x9] =	wrdreg s18  }
0x19: {  	s6 =	sor.u32 s6, s12;
	[dreg:$0xa] =	wrdreg s20;
	s2 =	smax.u32 s2, $0x1  }
0x1a: {  	s18 =	simm.s32 $0x2200;
	s20 =	simm.s32 $0x3200;
	s7 =	sshrl.u32 s7, $0x3  }
0x1b: {  	s12 =	simm.s32 $0x8200;
	s10 =	sshrl.u32 s10, $0x3;
	s7 =	sadd.s32 s0, s7  }
0x1c: {  	v2 =	vlaneseq.u32;
	s6 =	sshrl.u32 s6, $0x3;
	s15 =	sadd.s32 s0, s10;
	[dreg:$0x5] =	wrdreg s7  }
0x1d: {  	vm0 =	vmmov $0xffff;
	v1 =	vshrl.u32 v2, $0x3;
	s0 =	sadd.s32 s0, s6;
	s10 =	simm.s32 $0xB200;
	[dreg:$0x6] =	wrdreg s15  }
0x1e: {  	v0 =	vand.u32 $0x7, v2;
	v2 =	vor.u32 $0x8, v2;
	v1 =	vmul.u32 $0x8, v1;
	s6 =	simm.s32 $0xC200;
	[dreg:$0x7] =	wrdreg s0;
	s7 =	simm.s32 $0x9A00  }
.LBB2_1:
0x1f: {  	s14 =	rddreg [dreg:$0x4]  }
0x20: {  	[tilespmem:s3], [sflag:$0x3] =	stream.linear.gather [hbm4b:s14+s3], $0x80, $0x38;
	[tilespmem:$0x10200] =	vst v63  }
0x21: {  	_ =	swait.ge [sflag:s5], $0x80  }
0x22: {  	s4 =	rddreg [dreg:$0x5];
	[sflag:s5] =	ssyncset.done $0x0  }
0x23: {  	s15 =	rddreg [dreg:$0xc];
	[sflag:s5] =	ssyncadd.s32 $0xFFFFFF80  }
0x24: {  	[tilespmem:s15], [sflag:$0x3] =	stream.linear.gather [hbm4b:s4+s3], $0x80, $0x38;
	[tilespmem:$0x10200] =	vst v63  }
0x25: {  	_ =	swait.ge [sflag:s5], $0x80  }
0x26: {  	s0 =	rddreg [dreg:$0x6];
	[sflag:s5] =	ssyncset.done $0x0  }
0x27: {  	s4 =	rddreg [dreg:$0xd];
	[sflag:s5] =	ssyncadd.s32 $0xFFFFFF80  }
0x28: {  	[tilespmem:s4], [sflag:$0x3] =	stream.linear.gather [hbm4b:s0+s3], $0x80, $0x38;
	[tilespmem:$0x10200] =	vst v63  }
0x29: {  	_ =	swait.ge [sflag:s5], $0x80  }
0x2a: {  	s0 =	rddreg [dreg:$0x7];
	[sflag:s5] =	ssyncset.done $0x0  }
0x2b: {  	s4 =	rddreg [dreg:$0xe];
	[sflag:s5] =	ssyncadd.s32 $0xFFFFFF80  }
0x2c: {  	[tilespmem:s4], [sflag:$0x3] =	stream.linear.gather [hbm4b:s0+s3], $0x80, $0x38;
	[tilespmem:$0x10200] =	vst v63  }
0x2d: {  	_ =	swait.ge [sflag:s5], $0x80  }
0x2e: {  	[sflag:s5] =	ssyncset.done $0x0  }
0x2f: {  	[sflag:s5] =	ssyncadd.s32 $0xFFFFFF80  }
0x30: {  	v3 =	vld [tilespmem:$0x0];
	_ =	sdelay $0x4  }
0x31: {  	v4 =	vshll.u32 v3, $0x1  }
0x32: {  	v3 =	vand.u32 $0x7, v3;
	v4 =	vand.u32 $0xFFFFFFF0, v4  }
0x33: {  	v3 =	vor.u32 v3, v4  }
0x34: {  	v4 =	vperm.xlane v3, v0;
	_ =	sdelay $0x1  }
0x35: {  	v3 =	vperm.xlane v3, v2;
	v4 =	vadd.s32 v1, v4;
	_ =	sdelay $0x1  }
0x36: {  	v3 =	vadd.s32 v1, v3;
	_ =	sdelay $0x1  }
0x37: {  	s0 =	simm.s32 $0x200  }
0x38: {  	[tilespmem:s0], [sflag:$0x1] =	stream.indirect_vreg.gather [hbm4b:s1+s3], $0x80, v4, vm0, $0xb8;
	[tilespmem:$0x10200] =	vst v63  }
0x39: {  	s15 =	simm.s32 $0xA00  }
0x3a: {  	[tilespmem:s15], [sflag:$0x1] =	stream.indirect_vreg.gather [hbm4b:s1+s3], $0x80, v3, vm0, $0xb8;
	[tilespmem:$0x10200] =	vst v63  }
0x3b: {  	v3 =	vld [tilespmem:$0x10];
	_ =	sdelay $0x4  }
0x3c: {  	v33 =	vshll.u32 v3, $0x1  }
0x3d: {  	v3 =	vand.u32 $0x7, v3;
	v4 =	vand.u32 $0xFFFFFFF0, v33  }
0x3e: {  	v3 =	vor.u32 v3, v4  }
0x3f: {  	v4 =	vperm.xlane v3, v0;
	_ =	sdelay $0x1  }
0x40: {  	v3 =	vperm.xlane v3, v2;
	v4 =	vadd.s32 v1, v4;
	_ =	sdelay $0x1  }
0x41: {  	v3 =	vadd.s32 v1, v3;
	_ =	sdelay $0x2  }
0x42: {  	[tilespmem:s16], [sflag:$0x1] =	stream.indirect_vreg.gather [hbm4b:s1+s3], $0x80, v4, vm0, $0xb8;
	[tilespmem:$0x10200] =	vst v63  }
0x43: {  	_ = 	snop  }
0x44: {  	[tilespmem:s17], [sflag:$0x1] =	stream.indirect_vreg.gather [hbm4b:s1+s3], $0x80, v3, vm0, $0xb8;
	[tilespmem:$0x10200] =	vst v63  }
0x45: {  	v3 =	vld [tilespmem:$0x20];
	_ =	sdelay $0x4  }
0x46: {  	v34 =	vshll.u32 v3, $0x1  }
0x47: {  	v3 =	vand.u32 $0x7, v3;
	v4 =	vand.u32 $0xFFFFFFF0, v34  }
0x48: {  	v3 =	vor.u32 v3, v4  }
0x49: {  	v4 =	vperm.xlane v3, v0;
	_ =	sdelay $0x1  }
0x4a: {  	v3 =	vperm.xlane v3, v2;
	v4 =	vadd.s32 v1, v4;
	_ =	sdelay $0x1  }
0x4b: {  	v3 =	vadd.s32 v1, v3;
	_ =	sdelay $0x2  }
0x4c: {  	[tilespmem:s18], [sflag:$0x1] =	stream.indirect_vreg.gather [hbm4b:s1+s3], $0x80, v4, vm0, $0xb8;
	[tilespmem:$0x10200] =	vst v63  }
0x4d: {  	_ = 	snop  }
0x4e: {  	[tilespmem:s19], [sflag:$0x1] =	stream.indirect_vreg.gather [hbm4b:s1+s3], $0x80, v3, vm0, $0xb8;
	[tilespmem:$0x10200] =	vst v63  }
0x4f: {  	v3 =	vld [tilespmem:$0x30];
	_ =	sdelay $0x4  }
0x50: {  	v35 =	vshll.u32 v3, $0x1  }
0x51: {  	v3 =	vand.u32 $0x7, v3;
	v4 =	vand.u32 $0xFFFFFFF0, v35  }
0x52: {  	v3 =	vor.u32 v3, v4  }
0x53: {  	v4 =	vperm.xlane v3, v0;
	_ =	sdelay $0x1  }
0x54: {  	v3 =	vperm.xlane v3, v2;
	v4 =	vadd.s32 v1, v4;
	_ =	sdelay $0x1  }
0x55: {  	v3 =	vadd.s32 v1, v3;
	_ =	sdelay $0x2  }
0x56: {  	[tilespmem:s20], [sflag:$0x1] =	stream.indirect_vreg.gather [hbm4b:s1+s3], $0x80, v4, vm0, $0xb8;
	[tilespmem:$0x10200] =	vst v63  }
0x57: {  	_ = 	snop  }
0x58: {  	[tilespmem:s21], [sflag:$0x1] =	stream.indirect_vreg.gather [hbm4b:s1+s3], $0x80, v3, vm0, $0xb8;
	[tilespmem:$0x10200] =	vst v63  }
0x59: {  	v3 =	vld [tilespmem:$0x40];
	_ =	sdelay $0x4  }
0x5a: {  	v36 =	vshll.u32 v3, $0x1  }
0x5b: {  	v3 =	vand.u32 $0x7, v3;
	v4 =	vand.u32 $0xFFFFFFF0, v36  }
0x5c: {  	v3 =	vor.u32 v3, v4  }
0x5d: {  	v4 =	vperm.xlane v3, v0;
	_ =	sdelay $0x1  }
0x5e: {  	v3 =	vperm.xlane v3, v2;
	v4 =	vadd.s32 v1, v4;
	_ =	sdelay $0x1  }
0x5f: {  	v3 =	vadd.s32 v1, v3;
	_ =	sdelay $0x2  }
0x60: {  	[tilespmem:s23], [sflag:$0x1] =	stream.indirect_vreg.gather [hbm4b:s1+s3], $0x80, v4, vm0, $0xb8;
	[tilespmem:$0x10200] =	vst v63  }
0x61: {  	_ = 	snop  }
0x62: {  	[tilespmem:s24], [sflag:$0x1] =	stream.indirect_vreg.gather [hbm4b:s1+s3], $0x80, v3, vm0, $0xb8;
	[tilespmem:$0x10200] =	vst v63  }
0x63: {  	v3 =	vld [tilespmem:$0x50];
	_ =	sdelay $0x4  }
0x64: {  	v37 =	vshll.u32 v3, $0x1  }
0x65: {  	v3 =	vand.u32 $0x7, v3;
	v4 =	vand.u32 $0xFFFFFFF0, v37  }
0x66: {  	v3 =	vor.u32 v3, v4  }
0x67: {  	v4 =	vperm.xlane v3, v0;
	_ =	sdelay $0x1  }
0x68: {  	v3 =	vperm.xlane v3, v2;
	v4 =	vadd.s32 v1, v4;
	_ =	sdelay $0x1  }
0x69: {  	v3 =	vadd.s32 v1, v3;
	_ =	sdelay $0x2  }
0x6a: {  	[tilespmem:s25], [sflag:$0x1] =	stream.indirect_vreg.gather [hbm4b:s1+s3], $0x80, v4, vm0, $0xb8;
	[tilespmem:$0x10200] =	vst v63  }
0x6b: {  	_ = 	snop  }
0x6c: {  	[tilespmem:s26], [sflag:$0x1] =	stream.indirect_vreg.gather [hbm4b:s1+s3], $0x80, v3, vm0, $0xb8;
	[tilespmem:$0x10200] =	vst v63  }
0x6d: {  	v3 =	vld [tilespmem:$0x60];
	_ =	sdelay $0x4  }
0x6e: {  	v38 =	vshll.u32 v3, $0x1  }
0x6f: {  	v3 =	vand.u32 $0x7, v3;
	v4 =	vand.u32 $0xFFFFFFF0, v38  }
0x70: {  	v3 =	vor.u32 v3, v4  }
0x71: {  	v4 =	vperm.xlane v3, v0;
	_ =	sdelay $0x1  }
0x72: {  	v3 =	vperm.xlane v3, v2;
	v4 =	vadd.s32 v1, v4;
	_ =	sdelay $0x1  }
0x73: {  	v3 =	vadd.s32 v1, v3;
	_ =	sdelay $0x2  }
0x74: {  	[tilespmem:s28], [sflag:$0x1] =	stream.indirect_vreg.gather [hbm4b:s1+s3], $0x80, v4, vm0, $0xb8;
	[tilespmem:$0x10200] =	vst v63  }
0x75: {  	_ = 	snop  }
0x76: {  	[tilespmem:s29], [sflag:$0x1] =	stream.indirect_vreg.gather [hbm4b:s1+s3], $0x80, v3, vm0, $0xb8;
	[tilespmem:$0x10200] =	vst v63  }
0x77: {  	v3 =	vld [tilespmem:$0x70];
	_ =	sdelay $0x4  }
0x78: {  	v39 =	vshll.u32 v3, $0x1  }
0x79: {  	v3 =	vand.u32 $0x7, v3;
	v4 =	vand.u32 $0xFFFFFFF0, v39  }
0x7a: {  	v3 =	vor.u32 v3, v4  }
0x7b: {  	v4 =	vperm.xlane v3, v0;
	_ =	sdelay $0x1  }
0x7c: {  	v3 =	vperm.xlane v3, v2;
	v4 =	vadd.s32 v1, v4;
	_ =	sdelay $0x1  }
0x7d: {  	v3 =	vadd.s32 v1, v3;
	_ =	sdelay $0x2  }
0x7e: {  	[tilespmem:s30], [sflag:$0x1] =	stream.indirect_vreg.gather [hbm4b:s1+s3], $0x80, v4, vm0, $0xb8;
	[tilespmem:$0x10200] =	vst v63  }
0x7f: {  	_ = 	snop  }
0x80: {  	[tilespmem:s31], [sflag:$0x1] =	stream.indirect_vreg.gather [hbm4b:s1+s3], $0x80, v3, vm0, $0xb8;
	[tilespmem:$0x10200] =	vst v63  }
0x81: {  	v3 =	vld [tilespmem:$0x80];
	_ =	sdelay $0x4  }
0x82: {  	v40 =	vshll.u32 v3, $0x1  }
0x83: {  	v3 =	vand.u32 $0x7, v3;
	v4 =	vand.u32 $0xFFFFFFF0, v40  }
0x84: {  	v3 =	vor.u32 v3, v4  }
0x85: {  	v4 =	vperm.xlane v3, v0;
	_ =	sdelay $0x1  }
0x86: {  	v3 =	vperm.xlane v3, v2;
	v4 =	vadd.s32 v1, v4;
	_ =	sdelay $0x1  }
0x87: {  	v3 =	vadd.s32 v1, v3;
	_ =	sdelay $0x2  }
0x88: {  	[tilespmem:s12], [sflag:$0x2] =	stream.indirect_vreg.gather [hbm4b:s1+s3], $0x80, v4, vm0, $0xb8;
	[tilespmem:$0x10200] =	vst v63  }
0x89: {  	s14 =	simm.s32 $0x8A00  }
0x8a: {  	[tilespmem:s14], [sflag:$0x2] =	stream.indirect_vreg.gather [hbm4b:s1+s3], $0x80, v3, vm0, $0xb8;
	[tilespmem:$0x10200] =	vst v63  }
0x8b: {  	v3 =	vld [tilespmem:$0x90];
	_ =	sdelay $0x4  }
0x8c: {  	v41 =	vshll.u32 v3, $0x1  }
0x8d: {  	v3 =	vand.u32 $0x7, v3;
	v4 =	vand.u32 $0xFFFFFFF0, v41  }
0x8e: {  	v3 =	vor.u32 v3, v4  }
0x8f: {  	v4 =	vperm.xlane v3, v0;
	_ =	sdelay $0x1  }
0x90: {  	v3 =	vperm.xlane v3, v2;
	v4 =	vadd.s32 v1, v4;
	_ =	sdelay $0x1  }
0x91: {  	v3 =	vadd.s32 v1, v3;
	_ =	sdelay $0x1  }
0x92: {  	s4 =	simm.s32 $0x9200  }
0x93: {  	[tilespmem:s4], [sflag:$0x2] =	stream.indirect_vreg.gather [hbm4b:s1+s3], $0x80, v4, vm0, $0xb8;
	[tilespmem:$0x10200] =	vst v63  }
0x94: {  	_ = 	snop  }
0x95: {  	[tilespmem:s7], [sflag:$0x2] =	stream.indirect_vreg.gather [hbm4b:s1+s3], $0x80, v3, vm0, $0xb8;
	[tilespmem:$0x10200] =	vst v63  }
0x96: {  	v3 =	vld [tilespmem:$0xA0];
	_ =	sdelay $0x4  }
0x97: {  	v42 =	vshll.u32 v3, $0x1  }
0x98: {  	v3 =	vand.u32 $0x7, v3;
	v4 =	vand.u32 $0xFFFFFFF0, v42  }
0x99: {  	v3 =	vor.u32 v3, v4  }
0x9a: {  	v4 =	vperm.xlane v3, v0;
	_ =	sdelay $0x1  }
0x9b: {  	v3 =	vperm.xlane v3, v2;
	v4 =	vadd.s32 v1, v4;
	_ =	sdelay $0x1  }
0x9c: {  	v3 =	vadd.s32 v1, v3;
	_ =	sdelay $0x2  }
0x9d: {  	[tilespmem:s8], [sflag:$0x2] =	stream.indirect_vreg.gather [hbm4b:s1+s3], $0x80, v4, vm0, $0xb8;
	[tilespmem:$0x10200] =	vst v63  }
0x9e: {  	_ = 	snop  }
0x9f: {  	[tilespmem:s9], [sflag:$0x2] =	stream.indirect_vreg.gather [hbm4b:s1+s3], $0x80, v3, vm0, $0xb8;
	[tilespmem:$0x10200] =	vst v63  }
0xa0: {  	v3 =	vld [tilespmem:$0xB0];
	_ =	sdelay $0x4  }
0xa1: {  	v43 =	vshll.u32 v3, $0x1  }
0xa2: {  	v3 =	vand.u32 $0x7, v3;
	v4 =	vand.u32 $0xFFFFFFF0, v43  }
0xa3: {  	v3 =	vor.u32 v3, v4  }
0xa4: {  	v4 =	vperm.xlane v3, v0;
	_ =	sdelay $0x1  }
0xa5: {  	v3 =	vperm.xlane v3, v2;
	v4 =	vadd.s32 v1, v4;
	_ =	sdelay $0x1  }
0xa6: {  	v3 =	vadd.s32 v1, v3;
	_ =	sdelay $0x2  }
0xa7: {  	[tilespmem:s10], [sflag:$0x2] =	stream.indirect_vreg.gather [hbm4b:s1+s3], $0x80, v4, vm0, $0xb8;
	[tilespmem:$0x10200] =	vst v63  }
0xa8: {  	_ = 	snop  }
0xa9: {  	[tilespmem:s11], [sflag:$0x2] =	stream.indirect_vreg.gather [hbm4b:s1+s3], $0x80, v3, vm0, $0xb8;
	[tilespmem:$0x10200] =	vst v63  }
0xaa: {  	v3 =	vld [tilespmem:$0xC0];
	_ =	sdelay $0x4  }
0xab: {  	v44 =	vshll.u32 v3, $0x1  }
0xac: {  	v3 =	vand.u32 $0x7, v3;
	v4 =	vand.u32 $0xFFFFFFF0, v44  }
0xad: {  	v3 =	vor.u32 v3, v4  }
0xae: {  	v4 =	vperm.xlane v3, v0;
	_ =	sdelay $0x1  }
0xaf: {  	v3 =	vperm.xlane v3, v2;
	v4 =	vadd.s32 v1, v4;
	_ =	sdelay $0x1  }
0xb0: {  	v3 =	vadd.s32 v1, v3;
	_ =	sdelay $0x2  }
0xb1: {  	[tilespmem:s6], [sflag:$0x2] =	stream.indirect_vreg.gather [hbm4b:s1+s3], $0x80, v4, vm0, $0xb8;
	[tilespmem:$0x10200] =	vst v63  }
0xb2: {  	_ = 	snop  }
0xb3: {  	[tilespmem:s22], [sflag:$0x2] =	stream.indirect_vreg.gather [hbm4b:s1+s3], $0x80, v3, vm0, $0xb8;
	[tilespmem:$0x10200] =	vst v63  }
0xb4: {  	v3 =	vld [tilespmem:$0xD0];
	_ =	sdelay $0x4  }
0xb5: {  	v45 =	vshll.u32 v3, $0x1  }
0xb6: {  	v3 =	vand.u32 $0x7, v3;
	v4 =	vand.u32 $0xFFFFFFF0, v45  }
0xb7: {  	v3 =	vor.u32 v3, v4  }
0xb8: {  	v4 =	vperm.xlane v3, v0;
	_ =	sdelay $0x1  }
0xb9: {  	v3 =	vperm.xlane v3, v2;
	v4 =	vadd.s32 v1, v4;
	_ =	sdelay $0x1  }
0xba: {  	v3 =	vadd.s32 v1, v3;
	_ =	sdelay $0x2  }
0xbb: {  	[tilespmem:s13], [sflag:$0x2] =	stream.indirect_vreg.gather [hbm4b:s1+s3], $0x80, v4, vm0, $0xb8;
	[tilespmem:$0x10200] =	vst v63  }
0xbc: {  	s14 =	simm.s32 $0xDA00  }
0xbd: {  	[tilespmem:s14], [sflag:$0x2] =	stream.indirect_vreg.gather [hbm4b:s1+s3], $0x80, v3, vm0, $0xb8;
	[tilespmem:$0x10200] =	vst v63  }
0xbe: {  	v3 =	vld [tilespmem:$0xE0];
	_ =	sdelay $0x4  }
0xbf: {  	v46 =	vshll.u32 v3, $0x1  }
0xc0: {  	v3 =	vand.u32 $0x7, v3;
	v4 =	vand.u32 $0xFFFFFFF0, v46  }
0xc1: {  	v3 =	vor.u32 v3, v4  }
0xc2: {  	v4 =	vperm.xlane v3, v0;
	_ =	sdelay $0x1  }
0xc3: {  	v3 =	vperm.xlane v3, v2;
	v4 =	vadd.s32 v1, v4;
	_ =	sdelay $0x1  }
0xc4: {  	v3 =	vadd.s32 v1, v3;
	_ =	sdelay $0x1  }
0xc5: {  	s4 =	simm.s32 $0xE200  }
0xc6: {  	[tilespmem:s4], [sflag:$0x2] =	stream.indirect_vreg.gather [hbm4b:s1+s3], $0x80, v4, vm0, $0xb8;
	[tilespmem:$0x10200] =	vst v63  }
0xc7: {  	s14 =	simm.s32 $0xEA00  }
0xc8: {  	[tilespmem:s14], [sflag:$0x2] =	stream.indirect_vreg.gather [hbm4b:s1+s3], $0x80, v3, vm0, $0xb8;
	[tilespmem:$0x10200] =	vst v63  }
0xc9: {  	v3 =	vld [tilespmem:$0xF0];
	_ =	sdelay $0x4  }
0xca: {  	v47 =	vshll.u32 v3, $0x1  }
0xcb: {  	v3 =	vand.u32 $0x7, v3;
	v4 =	vand.u32 $0xFFFFFFF0, v47  }
0xcc: {  	v3 =	vor.u32 v3, v4  }
0xcd: {  	v4 =	vperm.xlane v3, v0;
	_ =	sdelay $0x1  }
0xce: {  	v3 =	vperm.xlane v3, v2;
	v4 =	vadd.s32 v1, v4;
	_ =	sdelay $0x1  }
0xcf: {  	v3 =	vadd.s32 v1, v3;
	_ =	sdelay $0x1  }
0xd0: {  	s4 =	simm.s32 $0xF200  }
0xd1: {  	[tilespmem:s4], [sflag:$0x2] =	stream.indirect_vreg.gather [hbm4b:s1+s3], $0x80, v4, vm0, $0xb8;
	[tilespmem:$0x10200] =	vst v63  }
0xd2: {  	s0 =	simm.s32 $0x1;
	s14 =	simm.s32 $0xFA00  }
0xd3: {  	[tilespmem:s14], [sflag:$0x2] =	stream.indirect_vreg.gather [hbm4b:s1+s3], $0x80, v3, vm0, $0xb8;
	[tilespmem:$0x10200] =	vst v63  }
0xd4: {  	_ =	swait.ge [sflag:s0], $0x8000  }
0xd5: {  	[sflag:s0] =	ssyncset.done $0x0  }
0xd6: {  	s4 =	simm.s32 $0x200;
	s14 =	rddreg [dreg:$0x8];
	[sflag:s0] =	ssyncadd.s32 $0xFFFF8000  }
0xd7: {  	[hbm4b:s14+s3] =	stream.linear.scatter [tilespmem:s4], [sflag:$0x3], $0x8000, $0x38;
	[tilespmem:$0x10200] =	vst v63  }
0xd8: {  	_ =	swait.ge [sflag:s5], $0x8000  }
0xd9: {  	[sflag:s5] =	ssyncset.done $0x0  }
0xda: {  	[sflag:s5] =	ssyncadd.s32 $0xFFFF8000  }
0xdb: {  	v3 =	vld [tilespmem:$0x100];
	_ =	sdelay $0x4  }
0xdc: {  	v48 =	vshll.u32 v3, $0x1  }
0xdd: {  	v3 =	vand.u32 $0x7, v3;
	v4 =	vand.u32 $0xFFFFFFF0, v48  }
0xde: {  	v3 =	vor.u32 v3, v4  }
0xdf: {  	v4 =	vperm.xlane v3, v0;
	_ =	sdelay $0x1  }
0xe0: {  	v3 =	vperm.xlane v3, v2;
	v4 =	vadd.s32 v1, v4;
	_ =	sdelay $0x1  }
0xe1: {  	v3 =	vadd.s32 v1, v3;
	_ =	sdelay $0x2  }
0xe2: {  	[tilespmem:s4], [sflag:$0x1] =	stream.indirect_vreg.gather [hbm4b:s1+s3], $0x80, v4, vm0, $0xb8;
	[tilespmem:$0x10200] =	vst v63  }
0xe3: {  	_ = 	snop  }
0xe4: {  	[tilespmem:s15], [sflag:$0x1] =	stream.indirect_vreg.gather [hbm4b:s1+s3], $0x80, v3, vm0, $0xb8;
	[tilespmem:$0x10200] =	vst v63  }
0xe5: {  	v3 =	vld [tilespmem:$0x110];
	_ =	sdelay $0x4  }
0xe6: {  	v49 =	vshll.u32 v3, $0x1  }
0xe7: {  	v3 =	vand.u32 $0x7, v3;
	v4 =	vand.u32 $0xFFFFFFF0, v49  }
0xe8: {  	v3 =	vor.u32 v3, v4  }
0xe9: {  	v4 =	vperm.xlane v3, v0;
	_ =	sdelay $0x1  }
0xea: {  	v3 =	vperm.xlane v3, v2;
	v4 =	vadd.s32 v1, v4;
	_ =	sdelay $0x1  }
0xeb: {  	v3 =	vadd.s32 v1, v3;
	_ =	sdelay $0x2  }
0xec: {  	[tilespmem:s16], [sflag:$0x1] =	stream.indirect_vreg.gather [hbm4b:s1+s3], $0x80, v4, vm0, $0xb8;
	[tilespmem:$0x10200] =	vst v63  }
0xed: {  	_ = 	snop  }
0xee: {  	[tilespmem:s17], [sflag:$0x1] =	stream.indirect_vreg.gather [hbm4b:s1+s3], $0x80, v3, vm0, $0xb8;
	[tilespmem:$0x10200] =	vst v63  }
0xef: {  	v3 =	vld [tilespmem:$0x120];
	_ =	sdelay $0x4  }
0xf0: {  	v50 =	vshll.u32 v3, $0x1  }
0xf1: {  	v3 =	vand.u32 $0x7, v3;
	v4 =	vand.u32 $0xFFFFFFF0, v50  }
0xf2: {  	v3 =	vor.u32 v3, v4  }
0xf3: {  	v4 =	vperm.xlane v3, v0;
	_ =	sdelay $0x1  }
0xf4: {  	v3 =	vperm.xlane v3, v2;
	v4 =	vadd.s32 v1, v4;
	_ =	sdelay $0x1  }
0xf5: {  	v3 =	vadd.s32 v1, v3;
	_ =	sdelay $0x2  }
0xf6: {  	[tilespmem:s18], [sflag:$0x1] =	stream.indirect_vreg.gather [hbm4b:s1+s3], $0x80, v4, vm0, $0xb8;
	[tilespmem:$0x10200] =	vst v63  }
0xf7: {  	_ = 	snop  }
0xf8: {  	[tilespmem:s19], [sflag:$0x1] =	stream.indirect_vreg.gather [hbm4b:s1+s3], $0x80, v3, vm0, $0xb8;
	[tilespmem:$0x10200] =	vst v63  }
0xf9: {  	v3 =	vld [tilespmem:$0x130];
	_ =	sdelay $0x4  }
0xfa: {  	v51 =	vshll.u32 v3, $0x1  }
0xfb: {  	v3 =	vand.u32 $0x7, v3;
	v4 =	vand.u32 $0xFFFFFFF0, v51  }
0xfc: {  	v3 =	vor.u32 v3, v4  }
0xfd: {  	v4 =	vperm.xlane v3, v0;
	_ =	sdelay $0x1  }
0xfe: {  	v3 =	vperm.xlane v3, v2;
	v4 =	vadd.s32 v1, v4;
	_ =	sdelay $0x1  }
0xff: {  	v3 =	vadd.s32 v1, v3;
	_ =	sdelay $0x2  }
0x100: {  	[tilespmem:s20], [sflag:$0x1] =	stream.indirect_vreg.gather [hbm4b:s1+s3], $0x80, v4, vm0, $0xb8;
	[tilespmem:$0x10200] =	vst v63  }
0x101: {  	_ = 	snop  }
0x102: {  	[tilespmem:s21], [sflag:$0x1] =	stream.indirect_vreg.gather [hbm4b:s1+s3], $0x80, v3, vm0, $0xb8;
	[tilespmem:$0x10200] =	vst v63  }
0x103: {  	v3 =	vld [tilespmem:$0x140];
	_ =	sdelay $0x4  }
0x104: {  	v52 =	vshll.u32 v3, $0x1  }
0x105: {  	v3 =	vand.u32 $0x7, v3;
	v4 =	vand.u32 $0xFFFFFFF0, v52  }
0x106: {  	v3 =	vor.u32 v3, v4  }
0x107: {  	v4 =	vperm.xlane v3, v0;
	_ =	sdelay $0x1  }
0x108: {  	v3 =	vperm.xlane v3, v2;
	v4 =	vadd.s32 v1, v4;
	_ =	sdelay $0x1  }
0x109: {  	v3 =	vadd.s32 v1, v3;
	_ =	sdelay $0x2  }
0x10a: {  	[tilespmem:s23], [sflag:$0x1] =	stream.indirect_vreg.gather [hbm4b:s1+s3], $0x80, v4, vm0, $0xb8;
	[tilespmem:$0x10200] =	vst v63  }
0x10b: {  	_ = 	snop  }
0x10c: {  	[tilespmem:s24], [sflag:$0x1] =	stream.indirect_vreg.gather [hbm4b:s1+s3], $0x80, v3, vm0, $0xb8;
	[tilespmem:$0x10200] =	vst v63  }
0x10d: {  	v3 =	vld [tilespmem:$0x150];
	_ =	sdelay $0x4  }
0x10e: {  	v53 =	vshll.u32 v3, $0x1  }
0x10f: {  	v3 =	vand.u32 $0x7, v3;
	v4 =	vand.u32 $0xFFFFFFF0, v53  }
0x110: {  	v3 =	vor.u32 v3, v4  }
0x111: {  	v4 =	vperm.xlane v3, v0;
	_ =	sdelay $0x1  }
0x112: {  	v3 =	vperm.xlane v3, v2;
	v4 =	vadd.s32 v1, v4;
	_ =	sdelay $0x1  }
0x113: {  	v3 =	vadd.s32 v1, v3;
	_ =	sdelay $0x2  }
0x114: {  	[tilespmem:s25], [sflag:$0x1] =	stream.indirect_vreg.gather [hbm4b:s1+s3], $0x80, v4, vm0, $0xb8;
	[tilespmem:$0x10200] =	vst v63  }
0x115: {  	_ = 	snop  }
0x116: {  	[tilespmem:s26], [sflag:$0x1] =	stream.indirect_vreg.gather [hbm4b:s1+s3], $0x80, v3, vm0, $0xb8;
	[tilespmem:$0x10200] =	vst v63  }
0x117: {  	v3 =	vld [tilespmem:$0x160];
	_ =	sdelay $0x4  }
0x118: {  	v54 =	vshll.u32 v3, $0x1  }
0x119: {  	v3 =	vand.u32 $0x7, v3;
	v4 =	vand.u32 $0xFFFFFFF0, v54  }
0x11a: {  	v3 =	vor.u32 v3, v4  }
0x11b: {  	v4 =	vperm.xlane v3, v0;
	_ =	sdelay $0x1  }
0x11c: {  	v3 =	vperm.xlane v3, v2;
	v4 =	vadd.s32 v1, v4;
	_ =	sdelay $0x1  }
0x11d: {  	v3 =	vadd.s32 v1, v3;
	_ =	sdelay $0x2  }
0x11e: {  	[tilespmem:s28], [sflag:$0x1] =	stream.indirect_vreg.gather [hbm4b:s1+s3], $0x80, v4, vm0, $0xb8;
	[tilespmem:$0x10200] =	vst v63  }
0x11f: {  	_ = 	snop  }
0x120: {  	[tilespmem:s29], [sflag:$0x1] =	stream.indirect_vreg.gather [hbm4b:s1+s3], $0x80, v3, vm0, $0xb8;
	[tilespmem:$0x10200] =	vst v63  }
0x121: {  	v3 =	vld [tilespmem:$0x170];
	_ =	sdelay $0x4  }
0x122: {  	v55 =	vshll.u32 v3, $0x1  }
0x123: {  	v3 =	vand.u32 $0x7, v3;
	v4 =	vand.u32 $0xFFFFFFF0, v55  }
0x124: {  	v3 =	vor.u32 v3, v4  }
0x125: {  	v4 =	vperm.xlane v3, v0;
	_ =	sdelay $0x1  }
0x126: {  	v3 =	vperm.xlane v3, v2;
	v4 =	vadd.s32 v1, v4;
	_ =	sdelay $0x1  }
0x127: {  	v3 =	vadd.s32 v1, v3;
	_ =	sdelay $0x2  }
0x128: {  	[tilespmem:s30], [sflag:$0x1] =	stream.indirect_vreg.gather [hbm4b:s1+s3], $0x80, v4, vm0, $0xb8;
	[tilespmem:$0x10200] =	vst v63  }
0x129: {  	s15 =	simm.s32 $0x2  }
0x12a: {  	[tilespmem:s31], [sflag:$0x1] =	stream.indirect_vreg.gather [hbm4b:s1+s3], $0x80, v3, vm0, $0xb8;
	[tilespmem:$0x10200] =	vst v63  }
0x12b: {  	_ =	swait.ge [sflag:s15], $0x8000  }
0x12c: {  	[sflag:s15] =	ssyncset.done $0x0  }
0x12d: {  	s4 =	rddreg [dreg:$0x9];
	[sflag:s15] =	ssyncadd.s32 $0xFFFF8000  }
0x12e: {  	[hbm4b:s4+s3] =	stream.linear.scatter [tilespmem:s12], [sflag:$0x3], $0x8000, $0x38;
	[tilespmem:$0x10200] =	vst v63  }
0x12f: {  	_ =	swait.ge [sflag:s5], $0x8000  }
0x130: {  	[sflag:s5] =	ssyncset.done $0x0  }
0x131: {  	[sflag:s5] =	ssyncadd.s32 $0xFFFF8000  }
0x132: {  	v3 =	vld [tilespmem:$0x180];
	_ =	sdelay $0x4  }
0x133: {  	v56 =	vshll.u32 v3, $0x1  }
0x134: {  	v3 =	vand.u32 $0x7, v3;
	v4 =	vand.u32 $0xFFFFFFF0, v56  }
0x135: {  	v3 =	vor.u32 v3, v4  }
0x136: {  	v4 =	vperm.xlane v3, v0;
	_ =	sdelay $0x1  }
0x137: {  	v3 =	vperm.xlane v3, v2;
	v4 =	vadd.s32 v1, v4;
	_ =	sdelay $0x1  }
0x138: {  	v3 =	vadd.s32 v1, v3;
	_ =	sdelay $0x2  }
0x139: {  	[tilespmem:s12], [sflag:$0x2] =	stream.indirect_vreg.gather [hbm4b:s1+s3], $0x80, v4, vm0, $0xb8;
	[tilespmem:$0x10200] =	vst v63  }
0x13a: {  	s14 =	simm.s32 $0x8A00  }
0x13b: {  	[tilespmem:s14], [sflag:$0x2] =	stream.indirect_vreg.gather [hbm4b:s1+s3], $0x80, v3, vm0, $0xb8;
	[tilespmem:$0x10200] =	vst v63  }
0x13c: {  	v3 =	vld [tilespmem:$0x190];
	_ =	sdelay $0x4  }
0x13d: {  	v57 =	vshll.u32 v3, $0x1  }
0x13e: {  	v3 =	vand.u32 $0x7, v3;
	v4 =	vand.u32 $0xFFFFFFF0, v57  }
0x13f: {  	v3 =	vor.u32 v3, v4  }
0x140: {  	v4 =	vperm.xlane v3, v0;
	_ =	sdelay $0x1  }
0x141: {  	v3 =	vperm.xlane v3, v2;
	v4 =	vadd.s32 v1, v4;
	_ =	sdelay $0x1  }
0x142: {  	v3 =	vadd.s32 v1, v3;
	_ =	sdelay $0x1  }
0x143: {  	s14 =	simm.s32 $0x9200  }
0x144: {  	[tilespmem:s14], [sflag:$0x2] =	stream.indirect_vreg.gather [hbm4b:s1+s3], $0x80, v4, vm0, $0xb8;
	[tilespmem:$0x10200] =	vst v63  }
0x145: {  	_ = 	snop  }
0x146: {  	[tilespmem:s7], [sflag:$0x2] =	stream.indirect_vreg.gather [hbm4b:s1+s3], $0x80, v3, vm0, $0xb8;
	[tilespmem:$0x10200] =	vst v63  }
0x147: {  	v3 =	vld [tilespmem:$0x1A0];
	_ =	sdelay $0x4  }
0x148: {  	v58 =	vshll.u32 v3, $0x1  }
0x149: {  	v3 =	vand.u32 $0x7, v3;
	v4 =	vand.u32 $0xFFFFFFF0, v58  }
0x14a: {  	v3 =	vor.u32 v3, v4  }
0x14b: {  	v4 =	vperm.xlane v3, v0;
	_ =	sdelay $0x1  }
0x14c: {  	v3 =	vperm.xlane v3, v2;
	v4 =	vadd.s32 v1, v4;
	_ =	sdelay $0x1  }
0x14d: {  	v3 =	vadd.s32 v1, v3;
	_ =	sdelay $0x2  }
0x14e: {  	[tilespmem:s8], [sflag:$0x2] =	stream.indirect_vreg.gather [hbm4b:s1+s3], $0x80, v4, vm0, $0xb8;
	[tilespmem:$0x10200] =	vst v63  }
0x14f: {  	_ = 	snop  }
0x150: {  	[tilespmem:s9], [sflag:$0x2] =	stream.indirect_vreg.gather [hbm4b:s1+s3], $0x80, v3, vm0, $0xb8;
	[tilespmem:$0x10200] =	vst v63  }
0x151: {  	v3 =	vld [tilespmem:$0x1B0];
	_ =	sdelay $0x4  }
0x152: {  	v59 =	vshll.u32 v3, $0x1  }
0x153: {  	v3 =	vand.u32 $0x7, v3;
	v4 =	vand.u32 $0xFFFFFFF0, v59  }
0x154: {  	v3 =	vor.u32 v3, v4  }
0x155: {  	v4 =	vperm.xlane v3, v0;
	_ =	sdelay $0x1  }
0x156: {  	v3 =	vperm.xlane v3, v2;
	v4 =	vadd.s32 v1, v4;
	_ =	sdelay $0x1  }
0x157: {  	v3 =	vadd.s32 v1, v3;
	_ =	sdelay $0x2  }
0x158: {  	[tilespmem:s10], [sflag:$0x2] =	stream.indirect_vreg.gather [hbm4b:s1+s3], $0x80, v4, vm0, $0xb8;
	[tilespmem:$0x10200] =	vst v63  }
0x159: {  	_ = 	snop  }
0x15a: {  	[tilespmem:s11], [sflag:$0x2] =	stream.indirect_vreg.gather [hbm4b:s1+s3], $0x80, v3, vm0, $0xb8;
	[tilespmem:$0x10200] =	vst v63  }
0x15b: {  	v3 =	vld [tilespmem:$0x1C0];
	_ =	sdelay $0x4  }
0x15c: {  	v60 =	vshll.u32 v3, $0x1  }
0x15d: {  	v3 =	vand.u32 $0x7, v3;
	v4 =	vand.u32 $0xFFFFFFF0, v60  }
0x15e: {  	v3 =	vor.u32 v3, v4  }
0x15f: {  	v4 =	vperm.xlane v3, v0;
	_ =	sdelay $0x1  }
0x160: {  	v3 =	vperm.xlane v3, v2;
	v4 =	vadd.s32 v1, v4;
	_ =	sdelay $0x1  }
0x161: {  	v3 =	vadd.s32 v1, v3;
	_ =	sdelay $0x2  }
0x162: {  	[tilespmem:s6], [sflag:$0x2] =	stream.indirect_vreg.gather [hbm4b:s1+s3], $0x80, v4, vm0, $0xb8;
	[tilespmem:$0x10200] =	vst v63  }
0x163: {  	_ = 	snop  }
0x164: {  	[tilespmem:s22], [sflag:$0x2] =	stream.indirect_vreg.gather [hbm4b:s1+s3], $0x80, v3, vm0, $0xb8;
	[tilespmem:$0x10200] =	vst v63  }
0x165: {  	v3 =	vld [tilespmem:$0x1D0];
	_ =	sdelay $0x4  }
0x166: {  	v61 =	vshll.u32 v3, $0x1  }
0x167: {  	v3 =	vand.u32 $0x7, v3;
	v4 =	vand.u32 $0xFFFFFFF0, v61  }
0x168: {  	v3 =	vor.u32 v3, v4  }
0x169: {  	v4 =	vperm.xlane v3, v0;
	_ =	sdelay $0x1  }
0x16a: {  	v3 =	vperm.xlane v3, v2;
	v4 =	vadd.s32 v1, v4;
	_ =	sdelay $0x1  }
0x16b: {  	v3 =	vadd.s32 v1, v3;
	_ =	sdelay $0x2  }
0x16c: {  	[tilespmem:s13], [sflag:$0x2] =	stream.indirect_vreg.gather [hbm4b:s1+s3], $0x80, v4, vm0, $0xb8;
	[tilespmem:$0x10200] =	vst v63  }
0x16d: {  	s14 =	simm.s32 $0xDA00  }
0x16e: {  	[tilespmem:s14], [sflag:$0x2] =	stream.indirect_vreg.gather [hbm4b:s1+s3], $0x80, v3, vm0, $0xb8;
	[tilespmem:$0x10200] =	vst v63  }
0x16f: {  	v3 =	vld [tilespmem:$0x1E0];
	_ =	sdelay $0x4  }
0x170: {  	v62 =	vshll.u32 v3, $0x1  }
0x171: {  	v3 =	vand.u32 $0x7, v3;
	v4 =	vand.u32 $0xFFFFFFF0, v62  }
0x172: {  	v3 =	vor.u32 v3, v4  }
0x173: {  	v4 =	vperm.xlane v3, v0;
	_ =	sdelay $0x1  }
0x174: {  	v3 =	vperm.xlane v3, v2;
	v4 =	vadd.s32 v1, v4;
	_ =	sdelay $0x1  }
0x175: {  	v3 =	vadd.s32 v1, v3;
	_ =	sdelay $0x1  }
0x176: {  	s14 =	simm.s32 $0xE200  }
0x177: {  	[tilespmem:s14], [sflag:$0x2] =	stream.indirect_vreg.gather [hbm4b:s1+s3], $0x80, v4, vm0, $0xb8;
	[tilespmem:$0x10200] =	vst v63  }
0x178: {  	s14 =	simm.s32 $0xEA00  }
0x179: {  	[tilespmem:s14], [sflag:$0x2] =	stream.indirect_vreg.gather [hbm4b:s1+s3], $0x80, v3, vm0, $0xb8;
	[tilespmem:$0x10200] =	vst v63  }
0x17a: {  	v3 =	vld [tilespmem:$0x1F0];
	_ =	sdelay $0x4  }
0x17b: {  	v63 =	vshll.u32 v3, $0x1  }
0x17c: {  	v3 =	vand.u32 $0x7, v3;
	v4 =	vand.u32 $0xFFFFFFF0, v63  }
0x17d: {  	v3 =	vor.u32 v3, v4  }
0x17e: {  	v4 =	vperm.xlane v3, v0;
	_ =	sdelay $0x1  }
0x17f: {  	v3 =	vperm.xlane v3, v2;
	v4 =	vadd.s32 v1, v4;
	_ =	sdelay $0x1  }
0x180: {  	v3 =	vadd.s32 v1, v3;
	_ =	sdelay $0x1  }
0x181: {  	s14 =	simm.s32 $0xF200  }
0x182: {  	[tilespmem:s14], [sflag:$0x2] =	stream.indirect_vreg.gather [hbm4b:s1+s3], $0x80, v4, vm0, $0xb8;
	[tilespmem:$0x10200] =	vst v63  }
0x183: {  	s14 =	simm.s32 $0xFA00  }
0x184: {  	[tilespmem:s14], [sflag:$0x2] =	stream.indirect_vreg.gather [hbm4b:s1+s3], $0x80, v3, vm0, $0xb8;
	[tilespmem:$0x10200] =	vst v63  }
0x185: {  	_ =	swait.ge [sflag:s0], $0x8000  }
0x186: {  	[sflag:s0] =	ssyncset.done $0x0  }
0x187: {  	s4 =	simm.s32 $0x200;
	s14 =	rddreg [dreg:$0xa];
	[sflag:s0] =	ssyncadd.s32 $0xFFFF8000  }
0x188: {  	[hbm4b:s14+s3] =	stream.linear.scatter [tilespmem:s4], [sflag:$0x3], $0x8000, $0x38;
	[tilespmem:$0x10200] =	vst v63  }
0x189: {  	_ =	swait.ge [sflag:s5], $0x8000  }
0x18a: {  	[sflag:s5] =	ssyncset.done $0x0  }
0x18b: {  	[sflag:s5] =	ssyncadd.s32 $0xFFFF8000  }
0x18c: {  	_ =	swait.ge [sflag:s15], $0x8000  }
0x18d: {  	p0 =	sne.s32 s2, $0x1;
	[sflag:s15] =	ssyncset.done $0x0  }
.Ltmp0:
0x18e: {  	s4 =	rddreg [dreg:$0xb];
	[sflag:s15] =	ssyncadd.s32 $0xFFFF8000;
	(pc) =	sbr.rel @p0 .LBB2_1-.Ltmp0, $4  }
0x18f: {  	[hbm4b:s4+s3] =	stream.linear.scatter [tilespmem:s12], [sflag:$0x3], $0x8000, $0x38;
	[tilespmem:$0x10200] =	vst v63  }
0x190: {  	_ =	swait.ge [sflag:s5], $0x8000  }
0x191: {  	[sflag:s5] =	ssyncset.done $0x0  }
0x192: {  	s2 =	sadd.s32 $0xFFFFFFFF, s2;
	[sflag:s5] =	ssyncadd.s32 $0xFFFF8000  }
0x193: {  	_ =	sfence.sel $0x180000  }
0x194: {  	[bflag:$0x0] =	sbarrier.arrive $0xFFFF  }
0x195: {  	_ =	strace $0x90000047  }
0x196: {  	s0 =	stileid.u32;
	[bflag:$0x2] =	sbarrier.arrive $0xFFFF  }
0x197: {  	p0 =	sne.s32 s0, $0x0;
	s0 =	rddreg [dreg:$0x3]  }
0x198: {  	s0 =	sadd.s32 @!p0 $0x100000, s0  }
0x199: {  	[sflag:s0] =	ssyncadd.tile.s32 @!p0 $0x1;
	_ =	shalt  }
.Lfunc_end2:
_tile_overlayer_lowered:
.L_overlay_start_2:
0x19a: {  	(tag) =	ssettag $0x2  }
0x19b: {  	s0 =	rddreg [dreg:$0x0];
	s2 =	stileid.u32  }
0x19c: {  	s1 =	rddreg [dreg:$0x1];
	p0 =	sne.s32 s2, $0x0  }
0x19d: {  	s3 =	rddreg [dreg:$0x2];
	[bflag:$0x3] =	sbarrier.arrive $0xFFFF;
	s2 =	simm.s32 @!p0 $0x1C03  }
0x19e: {  	[timem:s3], [sflag:s2] =	dma.local @!p0 [hbm:s0], s1  }
0x19f: {  	s0 =	simm.s32 @!p0 $0x3  }
0x1a0: {  	_ =	swait.ge @!p0 [sflag:s0], s1  }
0x1a1: {  	s1 =	ssub.s32 @!p0 $0x0, s1;
	[sflag:s0] =	ssyncset.done @!p0 $0x0  }
0x1a2: {  	[sflag:s0] =	ssyncadd.s32 @!p0 s1  }
0x1a3: {  	[bflag:$0x3] =	sbarrier.arrive $0xFFFF  }
0x1a4: {  	_ =	shalt  }

</sc_bundles>
